<compile_context>
chip_gen: v7x
topology: tpu7x:2x2x1
jax: 0.10.2.dev20260603
libtpu: 0.0.44.dev20260713+nightly
codegen_flags: <defaults>
</compile_context>

<pallas_src>
import functools

import jax
import jax.numpy as jnp
from jax import lax
from jax.experimental import pallas as pl
from jax.experimental.pallas import tpu as pltpu
from jax.experimental.pallas import tpu_sc as plsc

_NC = 2
_NS = 16
_NW = _NC * _NS
_CH = 128
_BM = 400


def _sc_deg(n_rows_pad, e_pad):
    per_w = e_pad // _NW
    mesh = plsc.VectorSubcoreMesh(core_axis_name="c", subcore_axis_name="s")

    @functools.partial(
        pl.kernel,
        mesh=mesh,
        compiler_params=pltpu.CompilerParams(needs_layout_passes=False),
        out_type=(
            jax.ShapeDtypeStruct((_NW, n_rows_pad), jnp.float32),
            jax.ShapeDtypeStruct((_NW, n_rows_pad), jnp.float32),
        ),
        scratch_types=[
            pltpu.VMEM((per_w,), jnp.int32),
            pltpu.VMEM((n_rows_pad,), jnp.float32),
            pltpu.SemaphoreType.DMA,
        ],
    )
    def k(dst1_h, dst2_h, out1, out2, didx, hist, sem):
        c = lax.axis_index("c")
        s = lax.axis_index("s")
        wid = s * _NC + c
        ones16 = jnp.ones((16,), jnp.float32)

        def one_list(dst_h, out_h):
            def zbody(i, carry):
                hist[pl.ds(i * 16, 16)] = jnp.zeros((16,), jnp.float32)
                return carry

            lax.fori_loop(0, n_rows_pad // 16, zbody, 0)
            pltpu.sync_copy(dst_h.at[pl.ds(wid * per_w, per_w)], didx)

            def body(i, carry):
                iv = didx[pl.ds(i * 16, 16)]
                plsc.addupdate_scatter(hist, [iv], ones16)
                return carry

            lax.fori_loop(0, per_w // 16, body, 0)
            pltpu.sync_copy(hist, out_h.at[wid])

        one_list(dst1_h, out1)
        one_list(dst2_h, out2)

    return k


def _sc_acc(n_rows_pad, width, e_pad):
    per_w = e_pad // _NW
    n_ch = per_w // _CH
    n_pair = n_ch // 2
    rpt = n_rows_pad // _NS
    n_rch = rpt // _CH
    mesh = plsc.VectorSubcoreMesh(core_axis_name="c", subcore_axis_name="s")

    @functools.partial(
        pl.kernel,
        mesh=mesh,
        out_type=jax.ShapeDtypeStruct((_NC, n_rows_pad, width), jnp.float32),
        scratch_types=[
            pltpu.VMEM((_CH,), jnp.int32),
            pltpu.VMEM((_CH,), jnp.int32),
            pltpu.VMEM((n_ch, _CH), jnp.int32),
            pltpu.VMEM((_CH, width), jnp.float32),
            pltpu.VMEM((_CH, width), jnp.float32),
            pltpu.VMEM_SHARED((n_rows_pad, width), jnp.float32),
            pltpu.SemaphoreType.DMA,
            pltpu.SemaphoreType.DMA,
            pltpu.SemaphoreType.DMA,
        ],
    )
    def k(feat, srcp, dstp, zw, out_acc, sidx0, sidx1, didx, rows0, rows1,
          acc, sem0, sem1, semi):
        c = lax.axis_index("c")
        s = lax.axis_index("s")
        wid = s * _NC + c
        r0 = s * rpt
        row0 = wid * n_ch
        pltpu.sync_copy(dstp.at[pl.ds(row0, n_ch), :], didx)
        pltpu.sync_copy(zw, rows0)
        for j in range(n_rch):
            pltpu.sync_copy(rows0, acc.at[pl.ds(r0 + j * _CH, _CH), :])
        plsc.subcore_barrier()

        pltpu.sync_copy(srcp.at[row0], sidx0)
        pltpu.async_copy(feat.at[sidx0], rows0, sem0)

        def body(p, carry):
            i = 2 * p
            pltpu.async_copy(srcp.at[row0 + i + 1], sidx1, semi)
            pltpu.make_async_copy(feat.at[sidx0], rows0, sem0).wait()
            pltpu.make_async_copy(srcp.at[row0 + i + 1], sidx1,
                                  semi).wait()
            pltpu.async_copy(feat.at[sidx1], rows1, sem1)
            pltpu.sync_copy(rows0, acc.at[didx.at[i]], add=True)

            @pl.when(p < n_pair - 1)
            def _():
                pltpu.async_copy(srcp.at[row0 + i + 2], sidx0, semi)

            pltpu.make_async_copy(feat.at[sidx1], rows1, sem1).wait()

            @pl.when(p < n_pair - 1)
            def _():
                pltpu.make_async_copy(srcp.at[row0 + i + 2], sidx0,
                                      semi).wait()
                pltpu.async_copy(feat.at[sidx0], rows0, sem0)

            pltpu.sync_copy(rows1, acc.at[didx.at[i + 1]], add=True)
            return carry

        lax.fori_loop(0, n_pair, body, 0)
        plsc.subcore_barrier()
        for j in range(n_rch):
            rj = r0 + j * _CH
            pltpu.sync_copy(acc.at[pl.ds(rj, _CH), :], rows0)
            pltpu.sync_copy(rows0, out_acc.at[c, pl.ds(rj, _CH), :])

    return k


def _mm(x, w, bm):
    n, d = x.shape
    h = w.shape[1]

    def body(x_ref, w_ref, o_ref):
        o_ref[...] = jnp.dot(x_ref[...], w_ref[...],
                             preferred_element_type=jnp.float32)

    return pl.pallas_call(
        body,
        grid=(n // bm,),
        in_specs=[pl.BlockSpec((bm, d), lambda i: (i, 0)),
                  pl.BlockSpec((d, h), lambda i: (0, 0))],
        out_specs=pl.BlockSpec((bm, h), lambda i: (i, 0)),
        out_shape=jax.ShapeDtypeStruct((n, h), jnp.float32),
    )(x, w)


def _deg_reduce(deg1h, deg2h):
    nw, rp = deg1h.shape

    def body(d1, d2, o1, o2):
        ones_nw = jnp.ones((nw, 1), jnp.float32)
        dims = (((0,), (0,)), ((), ()))
        o1[...] = jnp.maximum(
            lax.dot_general(d1[...], ones_nw, dims,
                            preferred_element_type=jnp.float32), 1.0)
        o2[...] = jnp.maximum(
            lax.dot_general(d2[...], ones_nw, dims,
                            preferred_element_type=jnp.float32), 1.0)

    return pl.pallas_call(
        body,
        grid=(1,),
        in_specs=[pl.BlockSpec((nw, rp), lambda i: (0, 0)),
                  pl.BlockSpec((nw, rp), lambda i: (0, 0))],
        out_specs=[pl.BlockSpec((rp, 1), lambda i: (0, 0)),
                   pl.BlockSpec((rp, 1), lambda i: (0, 0))],
        out_shape=[jax.ShapeDtypeStruct((rp, 1), jnp.float32),
                   jax.ShapeDtypeStruct((rp, 1), jnp.float32)],
    )(deg1h, deg2h)


def _layer1_combine(x, acc_a, acc_b, deg1c, ws1, b1r, ws2, b2r):
    n, d = x.shape
    c = ws2.shape[1]

    def body(x_ref, aa, ab, dh, ws1_r, b1_r, ws2_r, b2_r, h_ref, hs2_ref):
        agg = aa[...] + ab[...]
        deg = dh[...]
        h = jnp.dot(x_ref[...], ws1_r[...],
                    preferred_element_type=jnp.float32)
        h = jnp.maximum(h + b1_r[...] + agg / deg, 0.0)
        h_ref[...] = h
        hs2_ref[...] = jnp.dot(h, ws2_r[...],
                               preferred_element_type=jnp.float32) + b2_r[...]

    return pl.pallas_call(
        body,
        grid=(n // _BM,),
        in_specs=[
            pl.BlockSpec((_BM, d), lambda i: (i, 0)),
            pl.BlockSpec((_BM, d), lambda i: (i, 0)),
            pl.BlockSpec((_BM, d), lambda i: (i, 0)),
            pl.BlockSpec((_BM, 1), lambda i: (i, 0)),
            pl.BlockSpec((d, d), lambda i: (0, 0)),
            pl.BlockSpec((1, d), lambda i: (0, 0)),
            pl.BlockSpec((d, c), lambda i: (0, 0)),
            pl.BlockSpec((1, c), lambda i: (0, 0)),
        ],
        out_specs=[pl.BlockSpec((_BM, d), lambda i: (i, 0)),
                   pl.BlockSpec((_BM, c), lambda i: (i, 0))],
        out_shape=[jax.ShapeDtypeStruct((n, d), jnp.float32),
                   jax.ShapeDtypeStruct((n, c), jnp.float32)],
    )(x, acc_a, acc_b, deg1c, ws1, b1r, ws2, b2r)


def _layer2_combine(hs2, acc_a, acc_b, deg2c, wn2):
    n, d = acc_a.shape
    c = wn2.shape[1]

    def body(hs_ref, aa, ab, dh, wn2_r, o_ref):
        agg = aa[...] + ab[...]
        deg = dh[...]
        o_ref[...] = hs_ref[...] + jnp.dot(
            agg / deg, wn2_r[...], preferred_element_type=jnp.float32)

    return pl.pallas_call(
        body,
        grid=(n // _BM,),
        in_specs=[
            pl.BlockSpec((_BM, c), lambda i: (i, 0)),
            pl.BlockSpec((_BM, d), lambda i: (i, 0)),
            pl.BlockSpec((_BM, d), lambda i: (i, 0)),
            pl.BlockSpec((_BM, 1), lambda i: (i, 0)),
            pl.BlockSpec((d, c), lambda i: (0, 0)),
        ],
        out_specs=pl.BlockSpec((_BM, c), lambda i: (i, 0)),
        out_shape=jax.ShapeDtypeStruct((n, c), jnp.float32),
    )(hs2, acc_a, acc_b, deg2c, wn2)


def kernel(x, edge_index1, edge_index2, W_self1, W_neigh1, b1,
           W_self2, W_neigh2, b2):
    n, d = x.shape
    h = W_neigh1.shape[1]
    c = W_neigh2.shape[1]
    e = edge_index1.shape[1]

    quant = _NW * _CH * 2
    e_pad = ((e + quant - 1) // quant) * quant
    rq = _CH * _NS
    rp = ((n + 1 + rq - 1) // rq) * rq

    pad = e_pad - e
    pz = (jnp.arange(pad, dtype=jnp.int32) % n)
    pn = n + (jnp.arange(pad, dtype=jnp.int32) % (rp - n))
    src1f = jnp.concatenate([edge_index1[0], pz])
    dst1f = jnp.concatenate([edge_index1[1], pn])
    src2f = jnp.concatenate([edge_index2[0], pz])
    dst2f = jnp.concatenate([edge_index2[1], pn])
    src1 = src1f.reshape(-1, _CH)
    dst1 = dst1f.reshape(-1, _CH)
    src2 = src2f.reshape(-1, _CH)
    dst2 = dst2f.reshape(-1, _CH)

    z_h = jnp.zeros((_CH, h), jnp.float32)

    deg1h, deg2h = _sc_deg(rp, e_pad)(dst1f, dst2f)
    deg1c, deg2c = _deg_reduce(deg1h, deg2h)
    deg1c = deg1c[:n]
    deg2c = deg2c[:n]

    xw1 = _mm(x, W_neigh1, _BM)
    acc1 = _sc_acc(rp, h, e_pad)(xw1, src1, dst1, z_h)
    h_out, hs2 = _layer1_combine(
        x, acc1[0, :n], acc1[1, :n], deg1c,
        W_self1, b1.reshape(1, h), W_self2, b2.reshape(1, c))

    acc2 = _sc_acc(rp, h, e_pad)(h_out, src2, dst2, z_h)
    out = _layer2_combine(hs2, acc2[0, :n], acc2[1, :n], deg2c, W_neigh2)
    return out

# --- scband reference (transcript-rebuilt; emitter-appended) ---
"""Pipeline reference for scband-model-36893769073247 (READ-ONLY COPY).

The authoritative reference and input builder live on the scoring server;
editing this copy changes nothing except your own understanding.
"""

import jax, jax.numpy as jnp
import numpy as np

N = 10000
E = 320000
D = 128
H = 128
C = 40


def setup_inputs(seed: int = 0) -> dict:
    key = jax.random.key(seed)
    ks = jax.random.split(key, 9)
    x = jax.random.normal(ks[0], (N, D), dtype=jnp.float32)
    edge_index1 = jax.random.randint(ks[1], (2, E), 0, N, dtype=jnp.int32)
    edge_index2 = jax.random.randint(ks[2], (2, E), 0, N, dtype=jnp.int32)
    # SAGEConv layer 1 params (fc_self, fc_neigh without bias + shared bias, DGL-style)
    W_self1 = jax.random.normal(ks[3], (D, H), dtype=jnp.float32) * (1.0 / np.sqrt(D))
    W_neigh1 = jax.random.normal(ks[4], (D, H), dtype=jnp.float32) * (1.0 / np.sqrt(D))
    b1 = jnp.zeros((H,), dtype=jnp.float32)
    # SAGEConv layer 2 params
    W_self2 = jax.random.normal(ks[5], (H, C), dtype=jnp.float32) * (1.0 / np.sqrt(H))
    W_neigh2 = jax.random.normal(ks[6], (H, C), dtype=jnp.float32) * (1.0 / np.sqrt(H))
    b2 = jnp.zeros((C,), dtype=jnp.float32)
    return {
        "x": x,
        "edge_index1": edge_index1,
        "edge_index2": edge_index2,
        "W_self1": W_self1,
        "W_neigh1": W_neigh1,
        "b1": b1,
        "W_self2": W_self2,
        "W_neigh2": W_neigh2,
        "b2": b2,
    }


def _sage_conv_mean(feat_src, feat_dst, edge_index, W_self, W_neigh, b, num_dst):
    # DGL SAGEConv with aggregator_type='mean':
    #   h_neigh = mean over in-edges of feat_src[src] per dst node
    #   rst = fc_self(feat_dst) + fc_neigh(h_neigh) + bias
    src = edge_index[0]
    dst = edge_index[1]
    msg = feat_src[src]  # gather: [E, d]
    agg = jax.ops.segment_sum(msg, dst, num_segments=num_dst)  # scatter-add
    deg = jax.ops.segment_sum(jnp.ones((edge_index.shape[1],), dtype=jnp.float32), dst, num_segments=num_dst)
    h_neigh = agg / jnp.maximum(deg, 1.0)[:, None]
    return feat_dst @ W_self + h_neigh @ W_neigh + b


def reference(x, edge_index1, edge_index2, W_self1, W_neigh1, b1, W_self2, W_neigh2, b2):
    # MFG layer 1: dst nodes are the first N rows of x (full-neighborhood block here)
    h_dst = x[:N]
    h = _sage_conv_mean(x, h_dst, edge_index1, W_self1, W_neigh1, b1, N)
    h = jax.nn.relu(h)
    # dropout is identity in eval mode
    # MFG layer 2
    h_dst2 = h[:N]
    h = _sage_conv_mean(h, h_dst2, edge_index2, W_self2, W_neigh2, b2, N)
    return h

if __name__ == "__main__":
    import jax
    _d = setup_inputs()
    print(jax.jit(kernel)(*tuple(_d.values())))

</pallas_src>

<mosaic_0001>
#map = affine_map<(d0, d1) -> (0)>
#map1 = affine_map<(d0, d1) -> (0, 0)>
module attributes {stable_mosaic.version = 14 : i64} {
  func.func @k(%arg0: i32, %arg1: i32, %arg2: memref<327680xi32, #tpu.memory_space<hbm>>, %arg3: memref<327680xi32, #tpu.memory_space<hbm>>, %arg4: memref<32x10240xf32, #tpu.memory_space<hbm>>, %arg5: memref<32x10240xf32, #tpu.memory_space<hbm>>, %arg6: memref<10240xi32, #tpu.memory_space<vmem>>, %arg7: memref<10240xf32, #tpu.memory_space<vmem>>, %arg8: memref<!tpu.dma_semaphore, #tpu.memory_space<semaphore_mem>>) attributes {dimension_semantics = [#tpu.dimension_semantics<core_parallel>, #tpu.dimension_semantics<subcore_parallel>], iteration_bounds = array<i64: 2, 16>, scalar_prefetch = 0 : i64, scratch_operands = 3 : i64, tpu.core_type = #tpu.core_type<sc_vector_subcore>, window_params = [{transform_indices = #map}, {transform_indices = #map}, {transform_indices = #map1}, {transform_indices = #map1}]} {
    %mul3A = arith.constant 2 : i32
    %mul3A_0 = arith.muli %arg1, %mul3A : i32
    %add3A = arith.addi %mul3A_0, %arg0 : i32
    %broadcast_in_dim3A = arith.constant 1.000000e+00 : f32
    %broadcast_in_dim3A_1 = vector.broadcast %broadcast_in_dim3A : f32 to vector<16xf32>
    %scan3A = arith.constant 0 : i32
    %scan3A_2 = arith.constant 0 : i32
    %scan3A_3 = arith.constant 640 : i32
    %scan3A_4 = arith.addi %scan3A_2, %scan3A_3 : i32
    %scan3A_5 = arith.constant 1 : i32
    scf.for %scan3A_29 = %scan3A_2 to %scan3A_4 step %scan3A_5  : i32 {
      %broadcast_in_dim3A_30 = arith.constant 0.000000e+00 : f32
      %broadcast_in_dim3A_31 = vector.broadcast %broadcast_in_dim3A_30 : f32 to vector<16xf32>
      %mul3A_32 = arith.constant 16 : i32
      %mul3A_33 = arith.muli %scan3A_29, %mul3A_32 : i32
      %swap3A = arith.index_cast %mul3A_33 : i32 to index
      %swap3A_34 = tpu.vector_load %arg7[%swap3A] {strides = array<i32>} : memref<10240xf32, #tpu.memory_space<vmem>>, vector<16xf32>,
      tpu.vector_store %arg7[%swap3A], %broadcast_in_dim3A_31 {strides = array<i32>} : memref<10240xf32, #tpu.memory_space<vmem>>, vector<16xf32>,
    }
    %scan3A_6 = arith.constant 640 : i32
    %mul3A_7 = arith.constant 10240 : i32
    %mul3A_8 = arith.muli %add3A, %mul3A_7 : i32
    "tpu.region"() ({
      %run_scoped3A = tpu.sem_alloc : memref<!tpu.dma_semaphore, #tpu.memory_space<semaphore_mem>>
      %dma_start3A = tpu.memref_slice %arg2[%mul3A_8] : memref<327680xi32, #tpu.memory_space<hbm>> -> memref<10240xi32, #tpu.memory_space<hbm>>
      %dma_start3A_29 = tpu.memref_slice %arg2[%mul3A_8] : memref<327680xi32, #tpu.memory_space<hbm>> -> memref<10240xi32, #tpu.memory_space<hbm>>
      tpu.enqueue_dma source(%dma_start3A_29 : memref<10240xi32, #tpu.memory_space<hbm>>) target(%arg6 : memref<10240xi32, #tpu.memory_space<vmem>>) target_semaphore(%run_scoped3A : memref<!tpu.dma_semaphore, #tpu.memory_space<semaphore_mem>>)
      %dma_wait3A = tpu.memref_slice %arg2[%mul3A_8] : memref<327680xi32, #tpu.memory_space<hbm>> -> memref<10240xi32, #tpu.memory_space<hbm>>
      %dma_wait3A_30 = tpu.memref_slice %arg2[%mul3A_8] : memref<327680xi32, #tpu.memory_space<hbm>> -> memref<10240xi32, #tpu.memory_space<hbm>>
      tpu.wait_dma2 semaphore(%run_scoped3A : memref<!tpu.dma_semaphore, #tpu.memory_space<semaphore_mem>>) src(%dma_wait3A_30 : memref<10240xi32, #tpu.memory_space<hbm>>) dst(%arg6 : memref<10240xi32, #tpu.memory_space<vmem>>)
      tpu.yield
    }) : () -> ()
    %scan3A_9 = arith.constant 0 : i32
    %scan3A_10 = arith.constant 0 : i32
    %scan3A_11 = arith.constant 640 : i32
    %scan3A_12 = arith.addi %scan3A_10, %scan3A_11 : i32
    %scan3A_13 = arith.constant 1 : i32
    scf.for %scan3A_29 = %scan3A_10 to %scan3A_12 step %scan3A_13  : i32 {
      %mul3A_30 = arith.constant 16 : i32
      %mul3A_31 = arith.muli %scan3A_29, %mul3A_30 : i32
      %get3A = arith.index_cast %mul3A_31 : i32 to index
      %get3A_32 = tpu.vector_load %arg6[%get3A] {strides = array<i32>} : memref<10240xi32, #tpu.memory_space<vmem>>, vector<16xi32>,
      tpu.vector_store_idx %arg7[%get3A_32], %broadcast_in_dim3A_1 {add = true} : memref<10240xf32, #tpu.memory_space<vmem>>[vector<16xi32>], vector<16xf32>,
    }
    %scan3A_14 = arith.constant 640 : i32
    "tpu.region"() ({
      %run_scoped3A = tpu.sem_alloc : memref<!tpu.dma_semaphore, #tpu.memory_space<semaphore_mem>>
      %dma_start3A = arith.constant 0 : i32
      %dma_start3A_29 = tpu.memref_slice %arg4[%add3A, %dma_start3A] : memref<32x10240xf32, #tpu.memory_space<hbm>> -> memref<1x10240xf32, #tpu.memory_space<hbm>>
      %dma_start3A_30 = tpu.memref_squeeze %dma_start3A_29 : memref<1x10240xf32, #tpu.memory_space<hbm>> -> memref<10240xf32, #tpu.memory_space<hbm>>
      %dma_start3A_31 = arith.constant 0 : i32
      %dma_start3A_32 = tpu.memref_slice %arg4[%add3A, %dma_start3A_31] : memref<32x10240xf32, #tpu.memory_space<hbm>> -> memref<1x10240xf32, #tpu.memory_space<hbm>>
      %dma_start3A_33 = tpu.memref_squeeze %dma_start3A_32 : memref<1x10240xf32, #tpu.memory_space<hbm>> -> memref<10240xf32, #tpu.memory_space<hbm>>
      tpu.enqueue_dma source(%arg7 : memref<10240xf32, #tpu.memory_space<vmem>>) target(%dma_start3A_33 : memref<10240xf32, #tpu.memory_space<hbm>>) target_semaphore(%run_scoped3A : memref<!tpu.dma_semaphore, #tpu.memory_space<semaphore_mem>>)
      %dma_wait3A = arith.constant 0 : i32
      %dma_wait3A_34 = tpu.memref_slice %arg4[%add3A, %dma_wait3A] : memref<32x10240xf32, #tpu.memory_space<hbm>> -> memref<1x10240xf32, #tpu.memory_space<hbm>>
      %dma_wait3A_35 = tpu.memref_squeeze %dma_wait3A_34 : memref<1x10240xf32, #tpu.memory_space<hbm>> -> memref<10240xf32, #tpu.memory_space<hbm>>
      %dma_wait3A_36 = arith.constant 0 : i32
      %dma_wait3A_37 = tpu.memref_slice %arg4[%add3A, %dma_wait3A_36] : memref<32x10240xf32, #tpu.memory_space<hbm>> -> memref<1x10240xf32, #tpu.memory_space<hbm>>
      %dma_wait3A_38 = tpu.memref_squeeze %dma_wait3A_37 : memref<1x10240xf32, #tpu.memory_space<hbm>> -> memref<10240xf32, #tpu.memory_space<hbm>>
      tpu.wait_dma2 semaphore(%run_scoped3A : memref<!tpu.dma_semaphore, #tpu.memory_space<semaphore_mem>>) src(%arg7 : memref<10240xf32, #tpu.memory_space<vmem>>) dst(%dma_wait3A_38 : memref<10240xf32, #tpu.memory_space<hbm>>)
      tpu.yield
    }) : () -> ()
    %scan3A_15 = arith.constant 0 : i32
    %scan3A_16 = arith.constant 0 : i32
    %scan3A_17 = arith.constant 640 : i32
    %scan3A_18 = arith.addi %scan3A_16, %scan3A_17 : i32
    %scan3A_19 = arith.constant 1 : i32
    scf.for %scan3A_29 = %scan3A_16 to %scan3A_18 step %scan3A_19  : i32 {
      %broadcast_in_dim3A_30 = arith.constant 0.000000e+00 : f32
      %broadcast_in_dim3A_31 = vector.broadcast %broadcast_in_dim3A_30 : f32 to vector<16xf32>
      %mul3A_32 = arith.constant 16 : i32
      %mul3A_33 = arith.muli %scan3A_29, %mul3A_32 : i32
      %swap3A = arith.index_cast %mul3A_33 : i32 to index
      %swap3A_34 = tpu.vector_load %arg7[%swap3A] {strides = array<i32>} : memref<10240xf32, #tpu.memory_space<vmem>>, vector<16xf32>,
      tpu.vector_store %arg7[%swap3A], %broadcast_in_dim3A_31 {strides = array<i32>} : memref<10240xf32, #tpu.memory_space<vmem>>, vector<16xf32>,
    }
    %scan3A_20 = arith.constant 640 : i32
    %mul3A_21 = arith.constant 10240 : i32
    %mul3A_22 = arith.muli %add3A, %mul3A_21 : i32
    "tpu.region"() ({
      %run_scoped3A = tpu.sem_alloc : memref<!tpu.dma_semaphore, #tpu.memory_space<semaphore_mem>>
      %dma_start3A = tpu.memref_slice %arg3[%mul3A_22] : memref<327680xi32, #tpu.memory_space<hbm>> -> memref<10240xi32, #tpu.memory_space<hbm>>
      %dma_start3A_29 = tpu.memref_slice %arg3[%mul3A_22] : memref<327680xi32, #tpu.memory_space<hbm>> -> memref<10240xi32, #tpu.memory_space<hbm>>
      tpu.enqueue_dma source(%dma_start3A_29 : memref<10240xi32, #tpu.memory_space<hbm>>) target(%arg6 : memref<10240xi32, #tpu.memory_space<vmem>>) target_semaphore(%run_scoped3A : memref<!tpu.dma_semaphore, #tpu.memory_space<semaphore_mem>>)
      %dma_wait3A = tpu.memref_slice %arg3[%mul3A_22] : memref<327680xi32, #tpu.memory_space<hbm>> -> memref<10240xi32, #tpu.memory_space<hbm>>
      %dma_wait3A_30 = tpu.memref_slice %arg3[%mul3A_22] : memref<327680xi32, #tpu.memory_space<hbm>> -> memref<10240xi32, #tpu.memory_space<hbm>>
      tpu.wait_dma2 semaphore(%run_scoped3A : memref<!tpu.dma_semaphore, #tpu.memory_space<semaphore_mem>>) src(%dma_wait3A_30 : memref<10240xi32, #tpu.memory_space<hbm>>) dst(%arg6 : memref<10240xi32, #tpu.memory_space<vmem>>)
      tpu.yield
    }) : () -> ()
    %scan3A_23 = arith.constant 0 : i32
    %scan3A_24 = arith.constant 0 : i32
    %scan3A_25 = arith.constant 640 : i32
    %scan3A_26 = arith.addi %scan3A_24, %scan3A_25 : i32
    %scan3A_27 = arith.constant 1 : i32
    scf.for %scan3A_29 = %scan3A_24 to %scan3A_26 step %scan3A_27  : i32 {
      %mul3A_30 = arith.constant 16 : i32
      %mul3A_31 = arith.muli %scan3A_29, %mul3A_30 : i32
      %get3A = arith.index_cast %mul3A_31 : i32 to index
      %get3A_32 = tpu.vector_load %arg6[%get3A] {strides = array<i32>} : memref<10240xi32, #tpu.memory_space<vmem>>, vector<16xi32>,
      tpu.vector_store_idx %arg7[%get3A_32], %broadcast_in_dim3A_1 {add = true} : memref<10240xf32, #tpu.memory_space<vmem>>[vector<16xi32>], vector<16xf32>,
    }
    %scan3A_28 = arith.constant 640 : i32
    "tpu.region"() ({
      %run_scoped3A = tpu.sem_alloc : memref<!tpu.dma_semaphore, #tpu.memory_space<semaphore_mem>>
      %dma_start3A = arith.constant 0 : i32
      %dma_start3A_29 = tpu.memref_slice %arg5[%add3A, %dma_start3A] : memref<32x10240xf32, #tpu.memory_space<hbm>> -> memref<1x10240xf32, #tpu.memory_space<hbm>>
      %dma_start3A_30 = tpu.memref_squeeze %dma_start3A_29 : memref<1x10240xf32, #tpu.memory_space<hbm>> -> memref<10240xf32, #tpu.memory_space<hbm>>
      %dma_start3A_31 = arith.constant 0 : i32
      %dma_start3A_32 = tpu.memref_slice %arg5[%add3A, %dma_start3A_31] : memref<32x10240xf32, #tpu.memory_space<hbm>> -> memref<1x10240xf32, #tpu.memory_space<hbm>>
      %dma_start3A_33 = tpu.memref_squeeze %dma_start3A_32 : memref<1x10240xf32, #tpu.memory_space<hbm>> -> memref<10240xf32, #tpu.memory_space<hbm>>
      tpu.enqueue_dma source(%arg7 : memref<10240xf32, #tpu.memory_space<vmem>>) target(%dma_start3A_33 : memref<10240xf32, #tpu.memory_space<hbm>>) target_semaphore(%run_scoped3A : memref<!tpu.dma_semaphore, #tpu.memory_space<semaphore_mem>>)
      %dma_wait3A = arith.constant 0 : i32
      %dma_wait3A_34 = tpu.memref_slice %arg5[%add3A, %dma_wait3A] : memref<32x10240xf32, #tpu.memory_space<hbm>> -> memref<1x10240xf32, #tpu.memory_space<hbm>>
      %dma_wait3A_35 = tpu.memref_squeeze %dma_wait3A_34 : memref<1x10240xf32, #tpu.memory_space<hbm>> -> memref<10240xf32, #tpu.memory_space<hbm>>
      %dma_wait3A_36 = arith.constant 0 : i32
      %dma_wait3A_37 = tpu.memref_slice %arg5[%add3A, %dma_wait3A_36] : memref<32x10240xf32, #tpu.memory_space<hbm>> -> memref<1x10240xf32, #tpu.memory_space<hbm>>
      %dma_wait3A_38 = tpu.memref_squeeze %dma_wait3A_37 : memref<1x10240xf32, #tpu.memory_space<hbm>> -> memref<10240xf32, #tpu.memory_space<hbm>>
      tpu.wait_dma2 semaphore(%run_scoped3A : memref<!tpu.dma_semaphore, #tpu.memory_space<semaphore_mem>>) src(%arg7 : memref<10240xf32, #tpu.memory_space<vmem>>) dst(%dma_wait3A_38 : memref<10240xf32, #tpu.memory_space<hbm>>)
      tpu.yield
    }) : () -> ()
    return
  }
}

#map = affine_map<(d0, d1) -> (0, 0)>
#map1 = affine_map<(d0, d1) -> (0, 0, 0)>
module attributes {stable_mosaic.version = 14 : i64} {
  func.func @k(%arg0: i32, %arg1: i32, %arg2: memref<10000x128xf32, #tpu.memory_space<hbm>>, %arg3: memref<2560x128xi32, #tpu.memory_space<hbm>>, %arg4: memref<2560x128xi32, #tpu.memory_space<hbm>>, %arg5: memref<128x128xf32, #tpu.memory_space<hbm>>, %arg6: memref<2x10240x128xf32, #tpu.memory_space<hbm>>, %arg7: memref<128xi32, #tpu.memory_space<vmem>>, %arg8: memref<128xi32, #tpu.memory_space<vmem>>, %arg9: memref<80x128xi32, #tpu.memory_space<vmem>>, %arg10: memref<128x128xf32, #tpu.memory_space<vmem>>, %arg11: memref<128x128xf32, #tpu.memory_space<vmem>>, %arg12: memref<10240x128xf32, #tpu.memory_space<vmem_shared>>, %arg13: memref<!tpu.dma_semaphore, #tpu.memory_space<semaphore_mem>>, %arg14: memref<!tpu.dma_semaphore, #tpu.memory_space<semaphore_mem>>, %arg15: memref<!tpu.dma_semaphore, #tpu.memory_space<semaphore_mem>>) attributes {dimension_semantics = [#tpu.dimension_semantics<core_parallel>, #tpu.dimension_semantics<subcore_parallel>], iteration_bounds = array<i64: 2, 16>, scalar_prefetch = 0 : i64, scratch_operands = 9 : i64, tpu.core_type = #tpu.core_type<sc_vector_subcore>, window_params = [{transform_indices = #map}, {transform_indices = #map}, {transform_indices = #map}, {transform_indices = #map}, {transform_indices = #map1}]} {
    %mul3A = arith.constant 2 : i32
    %mul3A_0 = arith.muli %arg1, %mul3A : i32
    %add3A = arith.addi %mul3A_0, %arg0 : i32
    %mul3A_1 = arith.constant 640 : i32
    %mul3A_2 = arith.muli %arg1, %mul3A_1 : i32
    %mul3A_3 = arith.constant 80 : i32
    %mul3A_4 = arith.muli %add3A, %mul3A_3 : i32
    "tpu.region"() ({
      %run_scoped3A = tpu.sem_alloc : memref<!tpu.dma_semaphore, #tpu.memory_space<semaphore_mem>>
      %dma_start3A_33 = arith.constant 0 : i32
      %dma_start3A_34 = tpu.memref_slice %arg4[%mul3A_4, %dma_start3A_33] : memref<2560x128xi32, #tpu.memory_space<hbm>> -> memref<80x128xi32, #tpu.memory_space<hbm>>
      %dma_start3A_35 = arith.constant 0 : i32
      %dma_start3A_36 = tpu.memref_slice %arg4[%mul3A_4, %dma_start3A_35] : memref<2560x128xi32, #tpu.memory_space<hbm>> -> memref<80x128xi32, #tpu.memory_space<hbm>>
      tpu.enqueue_dma source(%dma_start3A_36 : memref<80x128xi32, #tpu.memory_space<hbm>>) target(%arg9 : memref<80x128xi32, #tpu.memory_space<vmem>>) target_semaphore(%run_scoped3A : memref<!tpu.dma_semaphore, #tpu.memory_space<semaphore_mem>>)
      %dma_wait3A = arith.constant 0 : i32
      %dma_wait3A_37 = tpu.memref_slice %arg4[%mul3A_4, %dma_wait3A] : memref<2560x128xi32, #tpu.memory_space<hbm>> -> memref<80x128xi32, #tpu.memory_space<hbm>>
      %dma_wait3A_38 = arith.constant 0 : i32
      %dma_wait3A_39 = tpu.memref_slice %arg4[%mul3A_4, %dma_wait3A_38] : memref<2560x128xi32, #tpu.memory_space<hbm>> -> memref<80x128xi32, #tpu.memory_space<hbm>>
      tpu.wait_dma2 semaphore(%run_scoped3A : memref<!tpu.dma_semaphore, #tpu.memory_space<semaphore_mem>>) src(%dma_wait3A_39 : memref<80x128xi32, #tpu.memory_space<hbm>>) dst(%arg9 : memref<80x128xi32, #tpu.memory_space<vmem>>)
      tpu.yield
    }) : () -> ()
    "tpu.region"() ({
      %run_scoped3A = tpu.sem_alloc : memref<!tpu.dma_semaphore, #tpu.memory_space<semaphore_mem>>
      tpu.enqueue_dma source(%arg5 : memref<128x128xf32, #tpu.memory_space<hbm>>) target(%arg10 : memref<128x128xf32, #tpu.memory_space<vmem>>) target_semaphore(%run_scoped3A : memref<!tpu.dma_semaphore, #tpu.memory_space<semaphore_mem>>)
      tpu.wait_dma2 semaphore(%run_scoped3A : memref<!tpu.dma_semaphore, #tpu.memory_space<semaphore_mem>>) src(%arg5 : memref<128x128xf32, #tpu.memory_space<hbm>>) dst(%arg10 : memref<128x128xf32, #tpu.memory_space<vmem>>)
      tpu.yield
    }) : () -> ()
    %add3A_5 = arith.constant 0 : i32
    %add3A_6 = arith.addi %mul3A_2, %add3A_5 : i32
    "tpu.region"() ({
      %run_scoped3A = tpu.sem_alloc : memref<!tpu.dma_semaphore, #tpu.memory_space<semaphore_mem>>
      %dma_start3A_33 = arith.constant 0 : i32
      %dma_start3A_34 = tpu.memref_slice %arg12[%add3A_6, %dma_start3A_33] : memref<10240x128xf32, #tpu.memory_space<vmem_shared>> -> memref<128x128xf32, #tpu.memory_space<vmem_shared>>
      %dma_start3A_35 = arith.constant 0 : i32
      %dma_start3A_36 = tpu.memref_slice %arg12[%add3A_6, %dma_start3A_35] : memref<10240x128xf32, #tpu.memory_space<vmem_shared>> -> memref<128x128xf32, #tpu.memory_space<vmem_shared>>
      tpu.enqueue_dma source(%arg10 : memref<128x128xf32, #tpu.memory_space<vmem>>) target(%dma_start3A_36 : memref<128x128xf32, #tpu.memory_space<vmem_shared>>) target_semaphore(%run_scoped3A : memref<!tpu.dma_semaphore, #tpu.memory_space<semaphore_mem>>)
      %dma_wait3A = arith.constant 0 : i32
      %dma_wait3A_37 = tpu.memref_slice %arg12[%add3A_6, %dma_wait3A] : memref<10240x128xf32, #tpu.memory_space<vmem_shared>> -> memref<128x128xf32, #tpu.memory_space<vmem_shared>>
      %dma_wait3A_38 = arith.constant 0 : i32
      %dma_wait3A_39 = tpu.memref_slice %arg12[%add3A_6, %dma_wait3A_38] : memref<10240x128xf32, #tpu.memory_space<vmem_shared>> -> memref<128x128xf32, #tpu.memory_space<vmem_shared>>
      tpu.wait_dma2 semaphore(%run_scoped3A : memref<!tpu.dma_semaphore, #tpu.memory_space<semaphore_mem>>) src(%arg10 : memref<128x128xf32, #tpu.memory_space<vmem>>) dst(%dma_wait3A_39 : memref<128x128xf32, #tpu.memory_space<vmem_shared>>)
      tpu.yield
    }) : () -> ()
    %add3A_7 = arith.constant 128 : i32
    %add3A_8 = arith.addi %mul3A_2, %add3A_7 : i32
    "tpu.region"() ({
      %run_scoped3A = tpu.sem_alloc : memref<!tpu.dma_semaphore, #tpu.memory_space<semaphore_mem>>
      %dma_start3A_33 = arith.constant 0 : i32
      %dma_start3A_34 = tpu.memref_slice %arg12[%add3A_8, %dma_start3A_33] : memref<10240x128xf32, #tpu.memory_space<vmem_shared>> -> memref<128x128xf32, #tpu.memory_space<vmem_shared>>
      %dma_start3A_35 = arith.constant 0 : i32
      %dma_start3A_36 = tpu.memref_slice %arg12[%add3A_8, %dma_start3A_35] : memref<10240x128xf32, #tpu.memory_space<vmem_shared>> -> memref<128x128xf32, #tpu.memory_space<vmem_shared>>
      tpu.enqueue_dma source(%arg10 : memref<128x128xf32, #tpu.memory_space<vmem>>) target(%dma_start3A_36 : memref<128x128xf32, #tpu.memory_space<vmem_shared>>) target_semaphore(%run_scoped3A : memref<!tpu.dma_semaphore, #tpu.memory_space<semaphore_mem>>)
      %dma_wait3A = arith.constant 0 : i32
      %dma_wait3A_37 = tpu.memref_slice %arg12[%add3A_8, %dma_wait3A] : memref<10240x128xf32, #tpu.memory_space<vmem_shared>> -> memref<128x128xf32, #tpu.memory_space<vmem_shared>>
      %dma_wait3A_38 = arith.constant 0 : i32
      %dma_wait3A_39 = tpu.memref_slice %arg12[%add3A_8, %dma_wait3A_38] : memref<10240x128xf32, #tpu.memory_space<vmem_shared>> -> memref<128x128xf32, #tpu.memory_space<vmem_shared>>
      tpu.wait_dma2 semaphore(%run_scoped3A : memref<!tpu.dma_semaphore, #tpu.memory_space<semaphore_mem>>) src(%arg10 : memref<128x128xf32, #tpu.memory_space<vmem>>) dst(%dma_wait3A_39 : memref<128x128xf32, #tpu.memory_space<vmem_shared>>)
      tpu.yield
    }) : () -> ()
    %add3A_9 = arith.constant 256 : i32
    %add3A_10 = arith.addi %mul3A_2, %add3A_9 : i32
    "tpu.region"() ({
      %run_scoped3A = tpu.sem_alloc : memref<!tpu.dma_semaphore, #tpu.memory_space<semaphore_mem>>
      %dma_start3A_33 = arith.constant 0 : i32
      %dma_start3A_34 = tpu.memref_slice %arg12[%add3A_10, %dma_start3A_33] : memref<10240x128xf32, #tpu.memory_space<vmem_shared>> -> memref<128x128xf32, #tpu.memory_space<vmem_shared>>
      %dma_start3A_35 = arith.constant 0 : i32
      %dma_start3A_36 = tpu.memref_slice %arg12[%add3A_10, %dma_start3A_35] : memref<10240x128xf32, #tpu.memory_space<vmem_shared>> -> memref<128x128xf32, #tpu.memory_space<vmem_shared>>
      tpu.enqueue_dma source(%arg10 : memref<128x128xf32, #tpu.memory_space<vmem>>) target(%dma_start3A_36 : memref<128x128xf32, #tpu.memory_space<vmem_shared>>) target_semaphore(%run_scoped3A : memref<!tpu.dma_semaphore, #tpu.memory_space<semaphore_mem>>)
      %dma_wait3A = arith.constant 0 : i32
      %dma_wait3A_37 = tpu.memref_slice %arg12[%add3A_10, %dma_wait3A] : memref<10240x128xf32, #tpu.memory_space<vmem_shared>> -> memref<128x128xf32, #tpu.memory_space<vmem_shared>>
      %dma_wait3A_38 = arith.constant 0 : i32
      %dma_wait3A_39 = tpu.memref_slice %arg12[%add3A_10, %dma_wait3A_38] : memref<10240x128xf32, #tpu.memory_space<vmem_shared>> -> memref<128x128xf32, #tpu.memory_space<vmem_shared>>
      tpu.wait_dma2 semaphore(%run_scoped3A : memref<!tpu.dma_semaphore, #tpu.memory_space<semaphore_mem>>) src(%arg10 : memref<128x128xf32, #tpu.memory_space<vmem>>) dst(%dma_wait3A_39 : memref<128x128xf32, #tpu.memory_space<vmem_shared>>)
      tpu.yield
    }) : () -> ()
    %add3A_11 = arith.constant 384 : i32
    %add3A_12 = arith.addi %mul3A_2, %add3A_11 : i32
    "tpu.region"() ({
      %run_scoped3A = tpu.sem_alloc : memref<!tpu.dma_semaphore, #tpu.memory_space<semaphore_mem>>
      %dma_start3A_33 = arith.constant 0 : i32
      %dma_start3A_34 = tpu.memref_slice %arg12[%add3A_12, %dma_start3A_33] : memref<10240x128xf32, #tpu.memory_space<vmem_shared>> -> memref<128x128xf32, #tpu.memory_space<vmem_shared>>
      %dma_start3A_35 = arith.constant 0 : i32
      %dma_start3A_36 = tpu.memref_slice %arg12[%add3A_12, %dma_start3A_35] : memref<10240x128xf32, #tpu.memory_space<vmem_shared>> -> memref<128x128xf32, #tpu.memory_space<vmem_shared>>
      tpu.enqueue_dma source(%arg10 : memref<128x128xf32, #tpu.memory_space<vmem>>) target(%dma_start3A_36 : memref<128x128xf32, #tpu.memory_space<vmem_shared>>) target_semaphore(%run_scoped3A : memref<!tpu.dma_semaphore, #tpu.memory_space<semaphore_mem>>)
      %dma_wait3A = arith.constant 0 : i32
      %dma_wait3A_37 = tpu.memref_slice %arg12[%add3A_12, %dma_wait3A] : memref<10240x128xf32, #tpu.memory_space<vmem_shared>> -> memref<128x128xf32, #tpu.memory_space<vmem_shared>>
      %dma_wait3A_38 = arith.constant 0 : i32
      %dma_wait3A_39 = tpu.memref_slice %arg12[%add3A_12, %dma_wait3A_38] : memref<10240x128xf32, #tpu.memory_space<vmem_shared>> -> memref<128x128xf32, #tpu.memory_space<vmem_shared>>
      tpu.wait_dma2 semaphore(%run_scoped3A : memref<!tpu.dma_semaphore, #tpu.memory_space<semaphore_mem>>) src(%arg10 : memref<128x128xf32, #tpu.memory_space<vmem>>) dst(%dma_wait3A_39 : memref<128x128xf32, #tpu.memory_space<vmem_shared>>)
      tpu.yield
    }) : () -> ()
    %add3A_13 = arith.constant 512 : i32
    %add3A_14 = arith.addi %mul3A_2, %add3A_13 : i32
    "tpu.region"() ({
      %run_scoped3A = tpu.sem_alloc : memref<!tpu.dma_semaphore, #tpu.memory_space<semaphore_mem>>
      %dma_start3A_33 = arith.constant 0 : i32
      %dma_start3A_34 = tpu.memref_slice %arg12[%add3A_14, %dma_start3A_33] : memref<10240x128xf32, #tpu.memory_space<vmem_shared>> -> memref<128x128xf32, #tpu.memory_space<vmem_shared>>
      %dma_start3A_35 = arith.constant 0 : i32
      %dma_start3A_36 = tpu.memref_slice %arg12[%add3A_14, %dma_start3A_35] : memref<10240x128xf32, #tpu.memory_space<vmem_shared>> -> memref<128x128xf32, #tpu.memory_space<vmem_shared>>
      tpu.enqueue_dma source(%arg10 : memref<128x128xf32, #tpu.memory_space<vmem>>) target(%dma_start3A_36 : memref<128x128xf32, #tpu.memory_space<vmem_shared>>) target_semaphore(%run_scoped3A : memref<!tpu.dma_semaphore, #tpu.memory_space<semaphore_mem>>)
      %dma_wait3A = arith.constant 0 : i32
      %dma_wait3A_37 = tpu.memref_slice %arg12[%add3A_14, %dma_wait3A] : memref<10240x128xf32, #tpu.memory_space<vmem_shared>> -> memref<128x128xf32, #tpu.memory_space<vmem_shared>>
      %dma_wait3A_38 = arith.constant 0 : i32
      %dma_wait3A_39 = tpu.memref_slice %arg12[%add3A_14, %dma_wait3A_38] : memref<10240x128xf32, #tpu.memory_space<vmem_shared>> -> memref<128x128xf32, #tpu.memory_space<vmem_shared>>
      tpu.wait_dma2 semaphore(%run_scoped3A : memref<!tpu.dma_semaphore, #tpu.memory_space<semaphore_mem>>) src(%arg10 : memref<128x128xf32, #tpu.memory_space<vmem>>) dst(%dma_wait3A_39 : memref<128x128xf32, #tpu.memory_space<vmem_shared>>)
      tpu.yield
    }) : () -> ()
    %barrier3A = arith.constant 0 : index
    tpu.barrier barrier_id(%barrier3A)
    "tpu.region"() ({
      %run_scoped3A = tpu.sem_alloc : memref<!tpu.dma_semaphore, #tpu.memory_space<semaphore_mem>>
      %dma_start3A_33 = arith.constant 0 : i32
      %dma_start3A_34 = tpu.memref_slice %arg3[%mul3A_4, %dma_start3A_33] : memref<2560x128xi32, #tpu.memory_space<hbm>> -> memref<1x128xi32, #tpu.memory_space<hbm>>
      %dma_start3A_35 = tpu.memref_squeeze %dma_start3A_34 : memref<1x128xi32, #tpu.memory_space<hbm>> -> memref<128xi32, #tpu.memory_space<hbm>>
      %dma_start3A_36 = arith.constant 0 : i32
      %dma_start3A_37 = tpu.memref_slice %arg3[%mul3A_4, %dma_start3A_36] : memref<2560x128xi32, #tpu.memory_space<hbm>> -> memref<1x128xi32, #tpu.memory_space<hbm>>
      %dma_start3A_38 = tpu.memref_squeeze %dma_start3A_37 : memref<1x128xi32, #tpu.memory_space<hbm>> -> memref<128xi32, #tpu.memory_space<hbm>>
      tpu.enqueue_dma source(%dma_start3A_38 : memref<128xi32, #tpu.memory_space<hbm>>) target(%arg7 : memref<128xi32, #tpu.memory_space<vmem>>) target_semaphore(%run_scoped3A : memref<!tpu.dma_semaphore, #tpu.memory_space<semaphore_mem>>)
      %dma_wait3A = arith.constant 0 : i32
      %dma_wait3A_39 = tpu.memref_slice %arg3[%mul3A_4, %dma_wait3A] : memref<2560x128xi32, #tpu.memory_space<hbm>> -> memref<1x128xi32, #tpu.memory_space<hbm>>
      %dma_wait3A_40 = tpu.memref_squeeze %dma_wait3A_39 : memref<1x128xi32, #tpu.memory_space<hbm>> -> memref<128xi32, #tpu.memory_space<hbm>>
      %dma_wait3A_41 = arith.constant 0 : i32
      %dma_wait3A_42 = tpu.memref_slice %arg3[%mul3A_4, %dma_wait3A_41] : memref<2560x128xi32, #tpu.memory_space<hbm>> -> memref<1x128xi32, #tpu.memory_space<hbm>>
      %dma_wait3A_43 = tpu.memref_squeeze %dma_wait3A_42 : memref<1x128xi32, #tpu.memory_space<hbm>> -> memref<128xi32, #tpu.memory_space<hbm>>
      tpu.wait_dma2 semaphore(%run_scoped3A : memref<!tpu.dma_semaphore, #tpu.memory_space<semaphore_mem>>) src(%dma_wait3A_43 : memref<128xi32, #tpu.memory_space<hbm>>) dst(%arg7 : memref<128xi32, #tpu.memory_space<vmem>>)
      tpu.yield
    }) : () -> ()
    %dma_start3A = arith.constant 0 : i32
    %dma_start3A_15 = arith.constant 0 : i32
    %dma_start3A_16 = tpu.memref_slice %arg2[%dma_start3A, %dma_start3A_15] : memref<10000x128xf32, #tpu.memory_space<hbm>> -> memref<10000x128xf32, #tpu.memory_space<hbm>>
    tpu.enqueue_indirect_dma source(%dma_start3A_16 : memref<10000x128xf32, #tpu.memory_space<hbm>>) target(%arg10 : memref<128x128xf32, #tpu.memory_space<vmem>>) offsets(%arg7 : memref<128xi32, #tpu.memory_space<vmem>>) semaphore(%arg13 : memref<!tpu.dma_semaphore, #tpu.memory_space<semaphore_mem>>)
    %scan3A = arith.constant 0 : i32
    %scan3A_17 = arith.constant 0 : i32
    %scan3A_18 = arith.constant 40 : i32
    %scan3A_19 = arith.addi %scan3A_17, %scan3A_18 : i32
    %scan3A_20 = arith.constant 1 : i32
    scf.for %scan3A_33 = %scan3A_17 to %scan3A_19 step %scan3A_20  : i32 {
      %mul3A_34 = arith.constant 2 : i32
      %mul3A_35 = arith.muli %mul3A_34, %scan3A_33 : i32
      %add3A_36 = arith.addi %mul3A_4, %mul3A_35 : i32
      %add3A_37 = arith.constant 1 : i32
      %add3A_38 = arith.addi %add3A_36, %add3A_37 : i32
      %dma_start3A_39 = arith.constant 0 : i32
      %dma_start3A_40 = tpu.memref_slice %arg3[%add3A_38, %dma_start3A_39] : memref<2560x128xi32, #tpu.memory_space<hbm>> -> memref<1x128xi32, #tpu.memory_space<hbm>>
      %dma_start3A_41 = tpu.memref_squeeze %dma_start3A_40 : memref<1x128xi32, #tpu.memory_space<hbm>> -> memref<128xi32, #tpu.memory_space<hbm>>
      %dma_start3A_42 = arith.constant 0 : i32
      %dma_start3A_43 = tpu.memref_slice %arg3[%add3A_38, %dma_start3A_42] : memref<2560x128xi32, #tpu.memory_space<hbm>> -> memref<1x128xi32, #tpu.memory_space<hbm>>
      %dma_start3A_44 = tpu.memref_squeeze %dma_start3A_43 : memref<1x128xi32, #tpu.memory_space<hbm>> -> memref<128xi32, #tpu.memory_space<hbm>>
      tpu.enqueue_dma source(%dma_start3A_44 : memref<128xi32, #tpu.memory_space<hbm>>) target(%arg8 : memref<128xi32, #tpu.memory_space<vmem>>) target_semaphore(%arg15 : memref<!tpu.dma_semaphore, #tpu.memory_space<semaphore_mem>>)
      %dma_wait3A = arith.constant 0 : i32
      %dma_wait3A_45 = arith.constant 0 : i32
      %dma_wait3A_46 = tpu.memref_slice %arg2[%dma_wait3A, %dma_wait3A_45] : memref<10000x128xf32, #tpu.memory_space<hbm>> -> memref<10000x128xf32, #tpu.memory_space<hbm>>
      tpu.wait_indirect_dma semaphore(%arg13 : memref<!tpu.dma_semaphore, #tpu.memory_space<semaphore_mem>>) src(%dma_wait3A_46 : memref<10000x128xf32, #tpu.memory_space<hbm>>) dst(%arg10 : memref<128x128xf32, #tpu.memory_space<vmem>>)
      %add3A_47 = arith.addi %mul3A_4, %mul3A_35 : i32
      %add3A_48 = arith.constant 1 : i32
      %add3A_49 = arith.addi %add3A_47, %add3A_48 : i32
      %dma_wait3A_50 = arith.constant 0 : i32
      %dma_wait3A_51 = tpu.memref_slice %arg3[%add3A_49, %dma_wait3A_50] : memref<2560x128xi32, #tpu.memory_space<hbm>> -> memref<1x128xi32, #tpu.memory_space<hbm>>
      %dma_wait3A_52 = tpu.memref_squeeze %dma_wait3A_51 : memref<1x128xi32, #tpu.memory_space<hbm>> -> memref<128xi32, #tpu.memory_space<hbm>>
      %dma_wait3A_53 = arith.constant 0 : i32
      %dma_wait3A_54 = tpu.memref_slice %arg3[%add3A_49, %dma_wait3A_53] : memref<2560x128xi32, #tpu.memory_space<hbm>> -> memref<1x128xi32, #tpu.memory_space<hbm>>
      %dma_wait3A_55 = tpu.memref_squeeze %dma_wait3A_54 : memref<1x128xi32, #tpu.memory_space<hbm>> -> memref<128xi32, #tpu.memory_space<hbm>>
      tpu.wait_dma2 semaphore(%arg15 : memref<!tpu.dma_semaphore, #tpu.memory_space<semaphore_mem>>) src(%dma_wait3A_55 : memref<128xi32, #tpu.memory_space<hbm>>) dst(%arg8 : memref<128xi32, #tpu.memory_space<vmem>>)
      %dma_start3A_56 = arith.constant 0 : i32
      %dma_start3A_57 = arith.constant 0 : i32
      %dma_start3A_58 = tpu.memref_slice %arg2[%dma_start3A_56, %dma_start3A_57] : memref<10000x128xf32, #tpu.memory_space<hbm>> -> memref<10000x128xf32, #tpu.memory_space<hbm>>
      tpu.enqueue_indirect_dma source(%dma_start3A_58 : memref<10000x128xf32, #tpu.memory_space<hbm>>) target(%arg11 : memref<128x128xf32, #tpu.memory_space<vmem>>) offsets(%arg8 : memref<128xi32, #tpu.memory_space<vmem>>) semaphore(%arg14 : memref<!tpu.dma_semaphore, #tpu.memory_space<semaphore_mem>>)
      "tpu.region"() ({
        %run_scoped3A = tpu.sem_alloc : memref<!tpu.dma_semaphore, #tpu.memory_space<semaphore_mem>>
        %dma_start3A_71 = arith.constant 0 : i32
        %dma_start3A_72 = tpu.memref_slice %arg9[%mul3A_35, %dma_start3A_71] : memref<80x128xi32, #tpu.memory_space<vmem>> -> memref<1x128xi32, #tpu.memory_space<vmem>>
        %dma_start3A_73 = tpu.memref_squeeze %dma_start3A_72 : memref<1x128xi32, #tpu.memory_space<vmem>> -> memref<128xi32, #tpu.memory_space<vmem>>
        %dma_start3A_74 = arith.constant 0 : i32
        %dma_start3A_75 = arith.constant 0 : i32
        %dma_start3A_76 = tpu.memref_slice %arg12[%dma_start3A_74, %dma_start3A_75] : memref<10240x128xf32, #tpu.memory_space<vmem_shared>> -> memref<10240x128xf32, #tpu.memory_space<vmem_shared>>
        tpu.enqueue_indirect_dma source(%arg10 : memref<128x128xf32, #tpu.memory_space<vmem>>) target(%dma_start3A_76 : memref<10240x128xf32, #tpu.memory_space<vmem_shared>>) offsets(%dma_start3A_73 : memref<128xi32, #tpu.memory_space<vmem>>) semaphore(%run_scoped3A : memref<!tpu.dma_semaphore, #tpu.memory_space<semaphore_mem>>) {add = true}
        %dma_wait3A_77 = arith.constant 0 : i32
        %dma_wait3A_78 = tpu.memref_slice %arg9[%mul3A_35, %dma_wait3A_77] : memref<80x128xi32, #tpu.memory_space<vmem>> -> memref<1x128xi32, #tpu.memory_space<vmem>>
        %dma_wait3A_79 = tpu.memref_squeeze %dma_wait3A_78 : memref<1x128xi32, #tpu.memory_space<vmem>> -> memref<128xi32, #tpu.memory_space<vmem>>
        %dma_wait3A_80 = arith.constant 0 : i32
        %dma_wait3A_81 = arith.constant 0 : i32
        %dma_wait3A_82 = tpu.memref_slice %arg12[%dma_wait3A_80, %dma_wait3A_81] : memref<10240x128xf32, #tpu.memory_space<vmem_shared>> -> memref<10240x128xf32, #tpu.memory_space<vmem_shared>>
        tpu.wait_indirect_dma semaphore(%run_scoped3A : memref<!tpu.dma_semaphore, #tpu.memory_space<semaphore_mem>>) src(%arg10 : memref<128x128xf32, #tpu.memory_space<vmem>>) dst(%dma_wait3A_82 : memref<10240x128xf32, #tpu.memory_space<vmem_shared>>)
        tpu.yield
      }) : () -> ()
      %lt3A = arith.constant 39 : i32
      %lt3A_59 = arith.cmpi slt, %scan3A_33, %lt3A : i32
      %convert_element_type3A = arith.extui %lt3A_59 : i1 to i32
      %cond3A = arith.constant 0 : i32
      %cond3A_60 = arith.cmpi ne, %convert_element_type3A, %cond3A : i32
      scf.if %cond3A_60 {
        %add3A_71 = arith.addi %mul3A_4, %mul3A_35 : i32
        %add3A_72 = arith.constant 2 : i32
        %add3A_73 = arith.addi %add3A_71, %add3A_72 : i32
        %dma_start3A_74 = arith.constant 0 : i32
        %dma_start3A_75 = tpu.memref_slice %arg3[%add3A_73, %dma_start3A_74] : memref<2560x128xi32, #tpu.memory_space<hbm>> -> memref<1x128xi32, #tpu.memory_space<hbm>>
        %dma_start3A_76 = tpu.memref_squeeze %dma_start3A_75 : memref<1x128xi32, #tpu.memory_space<hbm>> -> memref<128xi32, #tpu.memory_space<hbm>>
        %dma_start3A_77 = arith.constant 0 : i32
        %dma_start3A_78 = tpu.memref_slice %arg3[%add3A_73, %dma_start3A_77] : memref<2560x128xi32, #tpu.memory_space<hbm>> -> memref<1x128xi32, #tpu.memory_space<hbm>>
        %dma_start3A_79 = tpu.memref_squeeze %dma_start3A_78 : memref<1x128xi32, #tpu.memory_space<hbm>> -> memref<128xi32, #tpu.memory_space<hbm>>
        tpu.enqueue_dma source(%dma_start3A_79 : memref<128xi32, #tpu.memory_space<hbm>>) target(%arg7 : memref<128xi32, #tpu.memory_space<vmem>>) target_semaphore(%arg15 : memref<!tpu.dma_semaphore, #tpu.memory_space<semaphore_mem>>)
      } else {
      }
      %dma_wait3A_61 = arith.constant 0 : i32
      %dma_wait3A_62 = arith.constant 0 : i32
      %dma_wait3A_63 = tpu.memref_slice %arg2[%dma_wait3A_61, %dma_wait3A_62] : memref<10000x128xf32, #tpu.memory_space<hbm>> -> memref<10000x128xf32, #tpu.memory_space<hbm>>
      tpu.wait_indirect_dma semaphore(%arg14 : memref<!tpu.dma_semaphore, #tpu.memory_space<semaphore_mem>>) src(%dma_wait3A_63 : memref<10000x128xf32, #tpu.memory_space<hbm>>) dst(%arg11 : memref<128x128xf32, #tpu.memory_space<vmem>>)
      %lt3A_64 = arith.constant 39 : i32
      %lt3A_65 = arith.cmpi slt, %scan3A_33, %lt3A_64 : i32
      %convert_element_type3A_66 = arith.extui %lt3A_65 : i1 to i32
      %cond3A_67 = arith.constant 0 : i32
      %cond3A_68 = arith.cmpi ne, %convert_element_type3A_66, %cond3A_67 : i32
      scf.if %cond3A_68 {
        %add3A_71 = arith.addi %mul3A_4, %mul3A_35 : i32
        %add3A_72 = arith.constant 2 : i32
        %add3A_73 = arith.addi %add3A_71, %add3A_72 : i32
        %dma_wait3A_74 = arith.constant 0 : i32
        %dma_wait3A_75 = tpu.memref_slice %arg3[%add3A_73, %dma_wait3A_74] : memref<2560x128xi32, #tpu.memory_space<hbm>> -> memref<1x128xi32, #tpu.memory_space<hbm>>
        %dma_wait3A_76 = tpu.memref_squeeze %dma_wait3A_75 : memref<1x128xi32, #tpu.memory_space<hbm>> -> memref<128xi32, #tpu.memory_space<hbm>>
        %dma_wait3A_77 = arith.constant 0 : i32
        %dma_wait3A_78 = tpu.memref_slice %arg3[%add3A_73, %dma_wait3A_77] : memref<2560x128xi32, #tpu.memory_space<hbm>> -> memref<1x128xi32, #tpu.memory_space<hbm>>
        %dma_wait3A_79 = tpu.memref_squeeze %dma_wait3A_78 : memref<1x128xi32, #tpu.memory_space<hbm>> -> memref<128xi32, #tpu.memory_space<hbm>>
        tpu.wait_dma2 semaphore(%arg15 : memref<!tpu.dma_semaphore, #tpu.memory_space<semaphore_mem>>) src(%dma_wait3A_79 : memref<128xi32, #tpu.memory_space<hbm>>) dst(%arg7 : memref<128xi32, #tpu.memory_space<vmem>>)
        %dma_start3A_80 = arith.constant 0 : i32
        %dma_start3A_81 = arith.constant 0 : i32
        %dma_start3A_82 = tpu.memref_slice %arg2[%dma_start3A_80, %dma_start3A_81] : memref<10000x128xf32, #tpu.memory_space<hbm>> -> memref<10000x128xf32, #tpu.memory_space<hbm>>
        tpu.enqueue_indirect_dma source(%dma_start3A_82 : memref<10000x128xf32, #tpu.memory_space<hbm>>) target(%arg10 : memref<128x128xf32, #tpu.memory_space<vmem>>) offsets(%arg7 : memref<128xi32, #tpu.memory_space<vmem>>) semaphore(%arg13 : memref<!tpu.dma_semaphore, #tpu.memory_space<semaphore_mem>>)
      } else {
      }
      %add3A_69 = arith.constant 1 : i32
      %add3A_70 = arith.addi %mul3A_35, %add3A_69 : i32
      "tpu.region"() ({
        %run_scoped3A = tpu.sem_alloc : memref<!tpu.dma_semaphore, #tpu.memory_space<semaphore_mem>>
        %dma_start3A_71 = arith.constant 0 : i32
        %dma_start3A_72 = tpu.memref_slice %arg9[%add3A_70, %dma_start3A_71] : memref<80x128xi32, #tpu.memory_space<vmem>> -> memref<1x128xi32, #tpu.memory_space<vmem>>
        %dma_start3A_73 = tpu.memref_squeeze %dma_start3A_72 : memref<1x128xi32, #tpu.memory_space<vmem>> -> memref<128xi32, #tpu.memory_space<vmem>>
        %dma_start3A_74 = arith.constant 0 : i32
        %dma_start3A_75 = arith.constant 0 : i32
        %dma_start3A_76 = tpu.memref_slice %arg12[%dma_start3A_74, %dma_start3A_75] : memref<10240x128xf32, #tpu.memory_space<vmem_shared>> -> memref<10240x128xf32, #tpu.memory_space<vmem_shared>>
        tpu.enqueue_indirect_dma source(%arg11 : memref<128x128xf32, #tpu.memory_space<vmem>>) target(%dma_start3A_76 : memref<10240x128xf32, #tpu.memory_space<vmem_shared>>) offsets(%dma_start3A_73 : memref<128xi32, #tpu.memory_space<vmem>>) semaphore(%run_scoped3A : memref<!tpu.dma_semaphore, #tpu.memory_space<semaphore_mem>>) {add = true}
        %dma_wait3A_77 = arith.constant 0 : i32
        %dma_wait3A_78 = tpu.memref_slice %arg9[%add3A_70, %dma_wait3A_77] : memref<80x128xi32, #tpu.memory_space<vmem>> -> memref<1x128xi32, #tpu.memory_space<vmem>>
        %dma_wait3A_79 = tpu.memref_squeeze %dma_wait3A_78 : memref<1x128xi32, #tpu.memory_space<vmem>> -> memref<128xi32, #tpu.memory_space<vmem>>
        %dma_wait3A_80 = arith.constant 0 : i32
        %dma_wait3A_81 = arith.constant 0 : i32
        %dma_wait3A_82 = tpu.memref_slice %arg12[%dma_wait3A_80, %dma_wait3A_81] : memref<10240x128xf32, #tpu.memory_space<vmem_shared>> -> memref<10240x128xf32, #tpu.memory_space<vmem_shared>>
        tpu.wait_indirect_dma semaphore(%run_scoped3A : memref<!tpu.dma_semaphore, #tpu.memory_space<semaphore_mem>>) src(%arg11 : memref<128x128xf32, #tpu.memory_space<vmem>>) dst(%dma_wait3A_82 : memref<10240x128xf32, #tpu.memory_space<vmem_shared>>)
        tpu.yield
      }) : () -> ()
    }
    %scan3A_21 = arith.constant 40 : i32
    %barrier3A_22 = arith.constant 0 : index
    tpu.barrier barrier_id(%barrier3A_22)
    %add3A_23 = arith.constant 0 : i32
    %add3A_24 = arith.addi %mul3A_2, %add3A_23 : i32
    "tpu.region"() ({
      %run_scoped3A = tpu.sem_alloc : memref<!tpu.dma_semaphore, #tpu.memory_space<semaphore_mem>>
      %dma_start3A_33 = arith.constant 0 : i32
      %dma_start3A_34 = tpu.memref_slice %arg12[%add3A_24, %dma_start3A_33] : memref<10240x128xf32, #tpu.memory_space<vmem_shared>> -> memref<128x128xf32, #tpu.memory_space<vmem_shared>>
      %dma_start3A_35 = arith.constant 0 : i32
      %dma_start3A_36 = tpu.memref_slice %arg12[%add3A_24, %dma_start3A_35] : memref<10240x128xf32, #tpu.memory_space<vmem_shared>> -> memref<128x128xf32, #tpu.memory_space<vmem_shared>>
      tpu.enqueue_dma source(%dma_start3A_36 : memref<128x128xf32, #tpu.memory_space<vmem_shared>>) target(%arg10 : memref<128x128xf32, #tpu.memory_space<vmem>>) target_semaphore(%run_scoped3A : memref<!tpu.dma_semaphore, #tpu.memory_space<semaphore_mem>>)
      %dma_wait3A = arith.constant 0 : i32
      %dma_wait3A_37 = tpu.memref_slice %arg12[%add3A_24, %dma_wait3A] : memref<10240x128xf32, #tpu.memory_space<vmem_shared>> -> memref<128x128xf32, #tpu.memory_space<vmem_shared>>
      %dma_wait3A_38 = arith.constant 0 : i32
      %dma_wait3A_39 = tpu.memref_slice %arg12[%add3A_24, %dma_wait3A_38] : memref<10240x128xf32, #tpu.memory_space<vmem_shared>> -> memref<128x128xf32, #tpu.memory_space<vmem_shared>>
      tpu.wait_dma2 semaphore(%run_scoped3A : memref<!tpu.dma_semaphore, #tpu.memory_space<semaphore_mem>>) src(%dma_wait3A_39 : memref<128x128xf32, #tpu.memory_space<vmem_shared>>) dst(%arg10 : memref<128x128xf32, #tpu.memory_space<vmem>>)
      tpu.yield
    }) : () -> ()
    "tpu.region"() ({
      %run_scoped3A = tpu.sem_alloc : memref<!tpu.dma_semaphore, #tpu.memory_space<semaphore_mem>>
      %dma_start3A_33 = arith.constant 0 : i32
      %dma_start3A_34 = tpu.memref_slice %arg6[%arg0, %add3A_24, %dma_start3A_33] : memref<2x10240x128xf32, #tpu.memory_space<hbm>> -> memref<1x128x128xf32, #tpu.memory_space<hbm>>
      %dma_start3A_35 = tpu.memref_squeeze %dma_start3A_34 : memref<1x128x128xf32, #tpu.memory_space<hbm>> -> memref<128x128xf32, #tpu.memory_space<hbm>>
      %dma_start3A_36 = arith.constant 0 : i32
      %dma_start3A_37 = tpu.memref_slice %arg6[%arg0, %add3A_24, %dma_start3A_36] : memref<2x10240x128xf32, #tpu.memory_space<hbm>> -> memref<1x128x128xf32, #tpu.memory_space<hbm>>
      %dma_start3A_38 = tpu.memref_squeeze %dma_start3A_37 : memref<1x128x128xf32, #tpu.memory_space<hbm>> -> memref<128x128xf32, #tpu.memory_space<hbm>>
      tpu.enqueue_dma source(%arg10 : memref<128x128xf32, #tpu.memory_space<vmem>>) target(%dma_start3A_38 : memref<128x128xf32, #tpu.memory_space<hbm>>) target_semaphore(%run_scoped3A : memref<!tpu.dma_semaphore, #tpu.memory_space<semaphore_mem>>)
      %dma_wait3A = arith.constant 0 : i32
      %dma_wait3A_39 = tpu.memref_slice %arg6[%arg0, %add3A_24, %dma_wait3A] : memref<2x10240x128xf32, #tpu.memory_space<hbm>> -> memref<1x128x128xf32, #tpu.memory_space<hbm>>
      %dma_wait3A_40 = tpu.memref_squeeze %dma_wait3A_39 : memref<1x128x128xf32, #tpu.memory_space<hbm>> -> memref<128x128xf32, #tpu.memory_space<hbm>>
      %dma_wait3A_41 = arith.constant 0 : i32
      %dma_wait3A_42 = tpu.memref_slice %arg6[%arg0, %add3A_24, %dma_wait3A_41] : memref<2x10240x128xf32, #tpu.memory_space<hbm>> -> memref<1x128x128xf32, #tpu.memory_space<hbm>>
      %dma_wait3A_43 = tpu.memref_squeeze %dma_wait3A_42 : memref<1x128x128xf32, #tpu.memory_space<hbm>> -> memref<128x128xf32, #tpu.memory_space<hbm>>
      tpu.wait_dma2 semaphore(%run_scoped3A : memref<!tpu.dma_semaphore, #tpu.memory_space<semaphore_mem>>) src(%arg10 : memref<128x128xf32, #tpu.memory_space<vmem>>) dst(%dma_wait3A_43 : memref<128x128xf32, #tpu.memory_space<hbm>>)
      tpu.yield
    }) : () -> ()
    %add3A_25 = arith.constant 128 : i32
    %add3A_26 = arith.addi %mul3A_2, %add3A_25 : i32
    "tpu.region"() ({
      %run_scoped3A = tpu.sem_alloc : memref<!tpu.dma_semaphore, #tpu.memory_space<semaphore_mem>>
      %dma_start3A_33 = arith.constant 0 : i32
      %dma_start3A_34 = tpu.memref_slice %arg12[%add3A_26, %dma_start3A_33] : memref<10240x128xf32, #tpu.memory_space<vmem_shared>> -> memref<128x128xf32, #tpu.memory_space<vmem_shared>>
      %dma_start3A_35 = arith.constant 0 : i32
      %dma_start3A_36 = tpu.memref_slice %arg12[%add3A_26, %dma_start3A_35] : memref<10240x128xf32, #tpu.memory_space<vmem_shared>> -> memref<128x128xf32, #tpu.memory_space<vmem_shared>>
      tpu.enqueue_dma source(%dma_start3A_36 : memref<128x128xf32, #tpu.memory_space<vmem_shared>>) target(%arg10 : memref<128x128xf32, #tpu.memory_space<vmem>>) target_semaphore(%run_scoped3A : memref<!tpu.dma_semaphore, #tpu.memory_space<semaphore_mem>>)
      %dma_wait3A = arith.constant 0 : i32
      %dma_wait3A_37 = tpu.memref_slice %arg12[%add3A_26, %dma_wait3A] : memref<10240x128xf32, #tpu.memory_space<vmem_shared>> -> memref<128x128xf32, #tpu.memory_space<vmem_shared>>
      %dma_wait3A_38 = arith.constant 0 : i32
      %dma_wait3A_39 = tpu.memref_slice %arg12[%add3A_26, %dma_wait3A_38] : memref<10240x128xf32, #tpu.memory_space<vmem_shared>> -> memref<128x128xf32, #tpu.memory_space<vmem_shared>>
      tpu.wait_dma2 semaphore(%run_scoped3A : memref<!tpu.dma_semaphore, #tpu.memory_space<semaphore_mem>>) src(%dma_wait3A_39 : memref<128x128xf32, #tpu.memory_space<vmem_shared>>) dst(%arg10 : memref<128x128xf32, #tpu.memory_space<vmem>>)
      tpu.yield
    }) : () -> ()
    "tpu.region"() ({
      %run_scoped3A = tpu.sem_alloc : memref<!tpu.dma_semaphore, #tpu.memory_space<semaphore_mem>>
      %dma_start3A_33 = arith.constant 0 : i32
      %dma_start3A_34 = tpu.memref_slice %arg6[%arg0, %add3A_26, %dma_start3A_33] : memref<2x10240x128xf32, #tpu.memory_space<hbm>> -> memref<1x128x128xf32, #tpu.memory_space<hbm>>
      %dma_start3A_35 = tpu.memref_squeeze %dma_start3A_34 : memref<1x128x128xf32, #tpu.memory_space<hbm>> -> memref<128x128xf32, #tpu.memory_space<hbm>>
      %dma_start3A_36 = arith.constant 0 : i32
      %dma_start3A_37 = tpu.memref_slice %arg6[%arg0, %add3A_26, %dma_start3A_36] : memref<2x10240x128xf32, #tpu.memory_space<hbm>> -> memref<1x128x128xf32, #tpu.memory_space<hbm>>
      %dma_start3A_38 = tpu.memref_squeeze %dma_start3A_37 : memref<1x128x128xf32, #tpu.memory_space<hbm>> -> memref<128x128xf32, #tpu.memory_space<hbm>>
      tpu.enqueue_dma source(%arg10 : memref<128x128xf32, #tpu.memory_space<vmem>>) target(%dma_start3A_38 : memref<128x128xf32, #tpu.memory_space<hbm>>) target_semaphore(%run_scoped3A : memref<!tpu.dma_semaphore, #tpu.memory_space<semaphore_mem>>)
      %dma_wait3A = arith.constant 0 : i32
      %dma_wait3A_39 = tpu.memref_slice %arg6[%arg0, %add3A_26, %dma_wait3A] : memref<2x10240x128xf32, #tpu.memory_space<hbm>> -> memref<1x128x128xf32, #tpu.memory_space<hbm>>
      %dma_wait3A_40 = tpu.memref_squeeze %dma_wait3A_39 : memref<1x128x128xf32, #tpu.memory_space<hbm>> -> memref<128x128xf32, #tpu.memory_space<hbm>>
      %dma_wait3A_41 = arith.constant 0 : i32
      %dma_wait3A_42 = tpu.memref_slice %arg6[%arg0, %add3A_26, %dma_wait3A_41] : memref<2x10240x128xf32, #tpu.memory_space<hbm>> -> memref<1x128x128xf32, #tpu.memory_space<hbm>>
      %dma_wait3A_43 = tpu.memref_squeeze %dma_wait3A_42 : memref<1x128x128xf32, #tpu.memory_space<hbm>> -> memref<128x128xf32, #tpu.memory_space<hbm>>
      tpu.wait_dma2 semaphore(%run_scoped3A : memref<!tpu.dma_semaphore, #tpu.memory_space<semaphore_mem>>) src(%arg10 : memref<128x128xf32, #tpu.memory_space<vmem>>) dst(%dma_wait3A_43 : memref<128x128xf32, #tpu.memory_space<hbm>>)
      tpu.yield
    }) : () -> ()
    %add3A_27 = arith.constant 256 : i32
    %add3A_28 = arith.addi %mul3A_2, %add3A_27 : i32
    "tpu.region"() ({
      %run_scoped3A = tpu.sem_alloc : memref<!tpu.dma_semaphore, #tpu.memory_space<semaphore_mem>>
      %dma_start3A_33 = arith.constant 0 : i32
      %dma_start3A_34 = tpu.memref_slice %arg12[%add3A_28, %dma_start3A_33] : memref<10240x128xf32, #tpu.memory_space<vmem_shared>> -> memref<128x128xf32, #tpu.memory_space<vmem_shared>>
      %dma_start3A_35 = arith.constant 0 : i32
      %dma_start3A_36 = tpu.memref_slice %arg12[%add3A_28, %dma_start3A_35] : memref<10240x128xf32, #tpu.memory_space<vmem_shared>> -> memref<128x128xf32, #tpu.memory_space<vmem_shared>>
      tpu.enqueue_dma source(%dma_start3A_36 : memref<128x128xf32, #tpu.memory_space<vmem_shared>>) target(%arg10 : memref<128x128xf32, #tpu.memory_space<vmem>>) target_semaphore(%run_scoped3A : memref<!tpu.dma_semaphore, #tpu.memory_space<semaphore_mem>>)
      %dma_wait3A = arith.constant 0 : i32
      %dma_wait3A_37 = tpu.memref_slice %arg12[%add3A_28, %dma_wait3A] : memref<10240x128xf32, #tpu.memory_space<vmem_shared>> -> memref<128x128xf32, #tpu.memory_space<vmem_shared>>
      %dma_wait3A_38 = arith.constant 0 : i32
      %dma_wait3A_39 = tpu.memref_slice %arg12[%add3A_28, %dma_wait3A_38] : memref<10240x128xf32, #tpu.memory_space<vmem_shared>> -> memref<128x128xf32, #tpu.memory_space<vmem_shared>>
      tpu.wait_dma2 semaphore(%run_scoped3A : memref<!tpu.dma_semaphore, #tpu.memory_space<semaphore_mem>>) src(%dma_wait3A_39 : memref<128x128xf32, #tpu.memory_space<vmem_shared>>) dst(%arg10 : memref<128x128xf32, #tpu.memory_space<vmem>>)
      tpu.yield
    }) : () -> ()
    "tpu.region"() ({
      %run_scoped3A = tpu.sem_alloc : memref<!tpu.dma_semaphore, #tpu.memory_space<semaphore_mem>>
      %dma_start3A_33 = arith.constant 0 : i32
      %dma_start3A_34 = tpu.memref_slice %arg6[%arg0, %add3A_28, %dma_start3A_33] : memref<2x10240x128xf32, #tpu.memory_space<hbm>> -> memref<1x128x128xf32, #tpu.memory_space<hbm>>
      %dma_start3A_35 = tpu.memref_squeeze %dma_start3A_34 : memref<1x128x128xf32, #tpu.memory_space<hbm>> -> memref<128x128xf32, #tpu.memory_space<hbm>>
      %dma_start3A_36 = arith.constant 0 : i32
      %dma_start3A_37 = tpu.memref_slice %arg6[%arg0, %add3A_28, %dma_start3A_36] : memref<2x10240x128xf32, #tpu.memory_space<hbm>> -> memref<1x128x128xf32, #tpu.memory_space<hbm>>
      %dma_start3A_38 = tpu.memref_squeeze %dma_start3A_37 : memref<1x128x128xf32, #tpu.memory_space<hbm>> -> memref<128x128xf32, #tpu.memory_space<hbm>>
      tpu.enqueue_dma source(%arg10 : memref<128x128xf32, #tpu.memory_space<vmem>>) target(%dma_start3A_38 : memref<128x128xf32, #tpu.memory_space<hbm>>) target_semaphore(%run_scoped3A : memref<!tpu.dma_semaphore, #tpu.memory_space<semaphore_mem>>)
      %dma_wait3A = arith.constant 0 : i32
      %dma_wait3A_39 = tpu.memref_slice %arg6[%arg0, %add3A_28, %dma_wait3A] : memref<2x10240x128xf32, #tpu.memory_space<hbm>> -> memref<1x128x128xf32, #tpu.memory_space<hbm>>
      %dma_wait3A_40 = tpu.memref_squeeze %dma_wait3A_39 : memref<1x128x128xf32, #tpu.memory_space<hbm>> -> memref<128x128xf32, #tpu.memory_space<hbm>>
      %dma_wait3A_41 = arith.constant 0 : i32
      %dma_wait3A_42 = tpu.memref_slice %arg6[%arg0, %add3A_28, %dma_wait3A_41] : memref<2x10240x128xf32, #tpu.memory_space<hbm>> -> memref<1x128x128xf32, #tpu.memory_space<hbm>>
      %dma_wait3A_43 = tpu.memref_squeeze %dma_wait3A_42 : memref<1x128x128xf32, #tpu.memory_space<hbm>> -> memref<128x128xf32, #tpu.memory_space<hbm>>
      tpu.wait_dma2 semaphore(%run_scoped3A : memref<!tpu.dma_semaphore, #tpu.memory_space<semaphore_mem>>) src(%arg10 : memref<128x128xf32, #tpu.memory_space<vmem>>) dst(%dma_wait3A_43 : memref<128x128xf32, #tpu.memory_space<hbm>>)
      tpu.yield
    }) : () -> ()
    %add3A_29 = arith.constant 384 : i32
    %add3A_30 = arith.addi %mul3A_2, %add3A_29 : i32
    "tpu.region"() ({
      %run_scoped3A = tpu.sem_alloc : memref<!tpu.dma_semaphore, #tpu.memory_space<semaphore_mem>>
      %dma_start3A_33 = arith.constant 0 : i32
      %dma_start3A_34 = tpu.memref_slice %arg12[%add3A_30, %dma_start3A_33] : memref<10240x128xf32, #tpu.memory_space<vmem_shared>> -> memref<128x128xf32, #tpu.memory_space<vmem_shared>>
      %dma_start3A_35 = arith.constant 0 : i32
      %dma_start3A_36 = tpu.memref_slice %arg12[%add3A_30, %dma_start3A_35] : memref<10240x128xf32, #tpu.memory_space<vmem_shared>> -> memref<128x128xf32, #tpu.memory_space<vmem_shared>>
      tpu.enqueue_dma source(%dma_start3A_36 : memref<128x128xf32, #tpu.memory_space<vmem_shared>>) target(%arg10 : memref<128x128xf32, #tpu.memory_space<vmem>>) target_semaphore(%run_scoped3A : memref<!tpu.dma_semaphore, #tpu.memory_space<semaphore_mem>>)
      %dma_wait3A = arith.constant 0 : i32
      %dma_wait3A_37 = tpu.memref_slice %arg12[%add3A_30, %dma_wait3A] : memref<10240x128xf32, #tpu.memory_space<vmem_shared>> -> memref<128x128xf32, #tpu.memory_space<vmem_shared>>
      %dma_wait3A_38 = arith.constant 0 : i32
      %dma_wait3A_39 = tpu.memref_slice %arg12[%add3A_30, %dma_wait3A_38] : memref<10240x128xf32, #tpu.memory_space<vmem_shared>> -> memref<128x128xf32, #tpu.memory_space<vmem_shared>>
      tpu.wait_dma2 semaphore(%run_scoped3A : memref<!tpu.dma_semaphore, #tpu.memory_space<semaphore_mem>>) src(%dma_wait3A_39 : memref<128x128xf32, #tpu.memory_space<vmem_shared>>) dst(%arg10 : memref<128x128xf32, #tpu.memory_space<vmem>>)
      tpu.yield
    }) : () -> ()
    "tpu.region"() ({
      %run_scoped3A = tpu.sem_alloc : memref<!tpu.dma_semaphore, #tpu.memory_space<semaphore_mem>>
      %dma_start3A_33 = arith.constant 0 : i32
      %dma_start3A_34 = tpu.memref_slice %arg6[%arg0, %add3A_30, %dma_start3A_33] : memref<2x10240x128xf32, #tpu.memory_space<hbm>> -> memref<1x128x128xf32, #tpu.memory_space<hbm>>
      %dma_start3A_35 = tpu.memref_squeeze %dma_start3A_34 : memref<1x128x128xf32, #tpu.memory_space<hbm>> -> memref<128x128xf32, #tpu.memory_space<hbm>>
      %dma_start3A_36 = arith.constant 0 : i32
      %dma_start3A_37 = tpu.memref_slice %arg6[%arg0, %add3A_30, %dma_start3A_36] : memref<2x10240x128xf32, #tpu.memory_space<hbm>> -> memref<1x128x128xf32, #tpu.memory_space<hbm>>
      %dma_start3A_38 = tpu.memref_squeeze %dma_start3A_37 : memref<1x128x128xf32, #tpu.memory_space<hbm>> -> memref<128x128xf32, #tpu.memory_space<hbm>>
      tpu.enqueue_dma source(%arg10 : memref<128x128xf32, #tpu.memory_space<vmem>>) target(%dma_start3A_38 : memref<128x128xf32, #tpu.memory_space<hbm>>) target_semaphore(%run_scoped3A : memref<!tpu.dma_semaphore, #tpu.memory_space<semaphore_mem>>)
      %dma_wait3A = arith.constant 0 : i32
      %dma_wait3A_39 = tpu.memref_slice %arg6[%arg0, %add3A_30, %dma_wait3A] : memref<2x10240x128xf32, #tpu.memory_space<hbm>> -> memref<1x128x128xf32, #tpu.memory_space<hbm>>
      %dma_wait3A_40 = tpu.memref_squeeze %dma_wait3A_39 : memref<1x128x128xf32, #tpu.memory_space<hbm>> -> memref<128x128xf32, #tpu.memory_space<hbm>>
      %dma_wait3A_41 = arith.constant 0 : i32
      %dma_wait3A_42 = tpu.memref_slice %arg6[%arg0, %add3A_30, %dma_wait3A_41] : memref<2x10240x128xf32, #tpu.memory_space<hbm>> -> memref<1x128x128xf32, #tpu.memory_space<hbm>>
      %dma_wait3A_43 = tpu.memref_squeeze %dma_wait3A_42 : memref<1x128x128xf32, #tpu.memory_space<hbm>> -> memref<128x128xf32, #tpu.memory_space<hbm>>
      tpu.wait_dma2 semaphore(%run_scoped3A : memref<!tpu.dma_semaphore, #tpu.memory_space<semaphore_mem>>) src(%arg10 : memref<128x128xf32, #tpu.memory_space<vmem>>) dst(%dma_wait3A_43 : memref<128x128xf32, #tpu.memory_space<hbm>>)
      tpu.yield
    }) : () -> ()
    %add3A_31 = arith.constant 512 : i32
    %add3A_32 = arith.addi %mul3A_2, %add3A_31 : i32
    "tpu.region"() ({
      %run_scoped3A = tpu.sem_alloc : memref<!tpu.dma_semaphore, #tpu.memory_space<semaphore_mem>>
      %dma_start3A_33 = arith.constant 0 : i32
      %dma_start3A_34 = tpu.memref_slice %arg12[%add3A_32, %dma_start3A_33] : memref<10240x128xf32, #tpu.memory_space<vmem_shared>> -> memref<128x128xf32, #tpu.memory_space<vmem_shared>>
      %dma_start3A_35 = arith.constant 0 : i32
      %dma_start3A_36 = tpu.memref_slice %arg12[%add3A_32, %dma_start3A_35] : memref<10240x128xf32, #tpu.memory_space<vmem_shared>> -> memref<128x128xf32, #tpu.memory_space<vmem_shared>>
      tpu.enqueue_dma source(%dma_start3A_36 : memref<128x128xf32, #tpu.memory_space<vmem_shared>>) target(%arg10 : memref<128x128xf32, #tpu.memory_space<vmem>>) target_semaphore(%run_scoped3A : memref<!tpu.dma_semaphore, #tpu.memory_space<semaphore_mem>>)
      %dma_wait3A = arith.constant 0 : i32
      %dma_wait3A_37 = tpu.memref_slice %arg12[%add3A_32, %dma_wait3A] : memref<10240x128xf32, #tpu.memory_space<vmem_shared>> -> memref<128x128xf32, #tpu.memory_space<vmem_shared>>
      %dma_wait3A_38 = arith.constant 0 : i32
      %dma_wait3A_39 = tpu.memref_slice %arg12[%add3A_32, %dma_wait3A_38] : memref<10240x128xf32, #tpu.memory_space<vmem_shared>> -> memref<128x128xf32, #tpu.memory_space<vmem_shared>>
      tpu.wait_dma2 semaphore(%run_scoped3A : memref<!tpu.dma_semaphore, #tpu.memory_space<semaphore_mem>>) src(%dma_wait3A_39 : memref<128x128xf32, #tpu.memory_space<vmem_shared>>) dst(%arg10 : memref<128x128xf32, #tpu.memory_space<vmem>>)
      tpu.yield
    }) : () -> ()
    "tpu.region"() ({
      %run_scoped3A = tpu.sem_alloc : memref<!tpu.dma_semaphore, #tpu.memory_space<semaphore_mem>>
      %dma_start3A_33 = arith.constant 0 : i32
      %dma_start3A_34 = tpu.memref_slice %arg6[%arg0, %add3A_32, %dma_start3A_33] : memref<2x10240x128xf32, #tpu.memory_space<hbm>> -> memref<1x128x128xf32, #tpu.memory_space<hbm>>
      %dma_start3A_35 = tpu.memref_squeeze %dma_start3A_34 : memref<1x128x128xf32, #tpu.memory_space<hbm>> -> memref<128x128xf32, #tpu.memory_space<hbm>>
      %dma_start3A_36 = arith.constant 0 : i32
      %dma_start3A_37 = tpu.memref_slice %arg6[%arg0, %add3A_32, %dma_start3A_36] : memref<2x10240x128xf32, #tpu.memory_space<hbm>> -> memref<1x128x128xf32, #tpu.memory_space<hbm>>
      %dma_start3A_38 = tpu.memref_squeeze %dma_start3A_37 : memref<1x128x128xf32, #tpu.memory_space<hbm>> -> memref<128x128xf32, #tpu.memory_space<hbm>>
      tpu.enqueue_dma source(%arg10 : memref<128x128xf32, #tpu.memory_space<vmem>>) target(%dma_start3A_38 : memref<128x128xf32, #tpu.memory_space<hbm>>) target_semaphore(%run_scoped3A : memref<!tpu.dma_semaphore, #tpu.memory_space<semaphore_mem>>)
      %dma_wait3A = arith.constant 0 : i32
      %dma_wait3A_39 = tpu.memref_slice %arg6[%arg0, %add3A_32, %dma_wait3A] : memref<2x10240x128xf32, #tpu.memory_space<hbm>> -> memref<1x128x128xf32, #tpu.memory_space<hbm>>
      %dma_wait3A_40 = tpu.memref_squeeze %dma_wait3A_39 : memref<1x128x128xf32, #tpu.memory_space<hbm>> -> memref<128x128xf32, #tpu.memory_space<hbm>>
      %dma_wait3A_41 = arith.constant 0 : i32
      %dma_wait3A_42 = tpu.memref_slice %arg6[%arg0, %add3A_32, %dma_wait3A_41] : memref<2x10240x128xf32, #tpu.memory_space<hbm>> -> memref<1x128x128xf32, #tpu.memory_space<hbm>>
      %dma_wait3A_43 = tpu.memref_squeeze %dma_wait3A_42 : memref<1x128x128xf32, #tpu.memory_space<hbm>> -> memref<128x128xf32, #tpu.memory_space<hbm>>
      tpu.wait_dma2 semaphore(%run_scoped3A : memref<!tpu.dma_semaphore, #tpu.memory_space<semaphore_mem>>) src(%arg10 : memref<128x128xf32, #tpu.memory_space<vmem>>) dst(%dma_wait3A_43 : memref<128x128xf32, #tpu.memory_space<hbm>>)
      tpu.yield
    }) : () -> ()
    return
  }
}

#map = affine_map<(d0, d1) -> (0, 0)>
#map1 = affine_map<(d0, d1) -> (0, 0, 0)>
module attributes {stable_mosaic.version = 14 : i64} {
  func.func @k(%arg0: i32, %arg1: i32, %arg2: memref<10000x128xf32, #tpu.memory_space<hbm>>, %arg3: memref<2560x128xi32, #tpu.memory_space<hbm>>, %arg4: memref<2560x128xi32, #tpu.memory_space<hbm>>, %arg5: memref<128x128xf32, #tpu.memory_space<hbm>>, %arg6: memref<2x10240x128xf32, #tpu.memory_space<hbm>>, %arg7: memref<128xi32, #tpu.memory_space<vmem>>, %arg8: memref<128xi32, #tpu.memory_space<vmem>>, %arg9: memref<80x128xi32, #tpu.memory_space<vmem>>, %arg10: memref<128x128xf32, #tpu.memory_space<vmem>>, %arg11: memref<128x128xf32, #tpu.memory_space<vmem>>, %arg12: memref<10240x128xf32, #tpu.memory_space<vmem_shared>>, %arg13: memref<!tpu.dma_semaphore, #tpu.memory_space<semaphore_mem>>, %arg14: memref<!tpu.dma_semaphore, #tpu.memory_space<semaphore_mem>>, %arg15: memref<!tpu.dma_semaphore, #tpu.memory_space<semaphore_mem>>) attributes {dimension_semantics = [#tpu.dimension_semantics<core_parallel>, #tpu.dimension_semantics<subcore_parallel>], iteration_bounds = array<i64: 2, 16>, scalar_prefetch = 0 : i64, scratch_operands = 9 : i64, tpu.core_type = #tpu.core_type<sc_vector_subcore>, window_params = [{transform_indices = #map}, {transform_indices = #map}, {transform_indices = #map}, {transform_indices = #map}, {transform_indices = #map1}]} {
    %mul3A = arith.constant 2 : i32
    %mul3A_0 = arith.muli %arg1, %mul3A : i32
    %add3A = arith.addi %mul3A_0, %arg0 : i32
    %mul3A_1 = arith.constant 640 : i32
    %mul3A_2 = arith.muli %arg1, %mul3A_1 : i32
    %mul3A_3 = arith.constant 80 : i32
    %mul3A_4 = arith.muli %add3A, %mul3A_3 : i32
    "tpu.region"() ({
      %run_scoped3A = tpu.sem_alloc : memref<!tpu.dma_semaphore, #tpu.memory_space<semaphore_mem>>
      %dma_start3A_33 = arith.constant 0 : i32
      %dma_start3A_34 = tpu.memref_slice %arg4[%mul3A_4, %dma_start3A_33] : memref<2560x128xi32, #tpu.memory_space<hbm>> -> memref<80x128xi32, #tpu.memory_space<hbm>>
      %dma_start3A_35 = arith.constant 0 : i32
      %dma_start3A_36 = tpu.memref_slice %arg4[%mul3A_4, %dma_start3A_35] : memref<2560x128xi32, #tpu.memory_space<hbm>> -> memref<80x128xi32, #tpu.memory_space<hbm>>
      tpu.enqueue_dma source(%dma_start3A_36 : memref<80x128xi32, #tpu.memory_space<hbm>>) target(%arg9 : memref<80x128xi32, #tpu.memory_space<vmem>>) target_semaphore(%run_scoped3A : memref<!tpu.dma_semaphore, #tpu.memory_space<semaphore_mem>>)
      %dma_wait3A = arith.constant 0 : i32
      %dma_wait3A_37 = tpu.memref_slice %arg4[%mul3A_4, %dma_wait3A] : memref<2560x128xi32, #tpu.memory_space<hbm>> -> memref<80x128xi32, #tpu.memory_space<hbm>>
      %dma_wait3A_38 = arith.constant 0 : i32
      %dma_wait3A_39 = tpu.memref_slice %arg4[%mul3A_4, %dma_wait3A_38] : memref<2560x128xi32, #tpu.memory_space<hbm>> -> memref<80x128xi32, #tpu.memory_space<hbm>>
      tpu.wait_dma2 semaphore(%run_scoped3A : memref<!tpu.dma_semaphore, #tpu.memory_space<semaphore_mem>>) src(%dma_wait3A_39 : memref<80x128xi32, #tpu.memory_space<hbm>>) dst(%arg9 : memref<80x128xi32, #tpu.memory_space<vmem>>)
      tpu.yield
    }) : () -> ()
    "tpu.region"() ({
      %run_scoped3A = tpu.sem_alloc : memref<!tpu.dma_semaphore, #tpu.memory_space<semaphore_mem>>
      tpu.enqueue_dma source(%arg5 : memref<128x128xf32, #tpu.memory_space<hbm>>) target(%arg10 : memref<128x128xf32, #tpu.memory_space<vmem>>) target_semaphore(%run_scoped3A : memref<!tpu.dma_semaphore, #tpu.memory_space<semaphore_mem>>)
      tpu.wait_dma2 semaphore(%run_scoped3A : memref<!tpu.dma_semaphore, #tpu.memory_space<semaphore_mem>>) src(%arg5 : memref<128x128xf32, #tpu.memory_space<hbm>>) dst(%arg10 : memref<128x128xf32, #tpu.memory_space<vmem>>)
      tpu.yield
    }) : () -> ()
    %add3A_5 = arith.constant 0 : i32
    %add3A_6 = arith.addi %mul3A_2, %add3A_5 : i32
    "tpu.region"() ({
      %run_scoped3A = tpu.sem_alloc : memref<!tpu.dma_semaphore, #tpu.memory_space<semaphore_mem>>
      %dma_start3A_33 = arith.constant 0 : i32
      %dma_start3A_34 = tpu.memref_slice %arg12[%add3A_6, %dma_start3A_33] : memref<10240x128xf32, #tpu.memory_space<vmem_shared>> -> memref<128x128xf32, #tpu.memory_space<vmem_shared>>
      %dma_start3A_35 = arith.constant 0 : i32
      %dma_start3A_36 = tpu.memref_slice %arg12[%add3A_6, %dma_start3A_35] : memref<10240x128xf32, #tpu.memory_space<vmem_shared>> -> memref<128x128xf32, #tpu.memory_space<vmem_shared>>
      tpu.enqueue_dma source(%arg10 : memref<128x128xf32, #tpu.memory_space<vmem>>) target(%dma_start3A_36 : memref<128x128xf32, #tpu.memory_space<vmem_shared>>) target_semaphore(%run_scoped3A : memref<!tpu.dma_semaphore, #tpu.memory_space<semaphore_mem>>)
      %dma_wait3A = arith.constant 0 : i32
      %dma_wait3A_37 = tpu.memref_slice %arg12[%add3A_6, %dma_wait3A] : memref<10240x128xf32, #tpu.memory_space<vmem_shared>> -> memref<128x128xf32, #tpu.memory_space<vmem_shared>>
      %dma_wait3A_38 = arith.constant 0 : i32
      %dma_wait3A_39 = tpu.memref_slice %arg12[%add3A_6, %dma_wait3A_38] : memref<10240x128xf32, #tpu.memory_space<vmem_shared>> -> memref<128x128xf32, #tpu.memory_space<vmem_shared>>
      tpu.wait_dma2 semaphore(%run_scoped3A : memref<!tpu.dma_semaphore, #tpu.memory_space<semaphore_mem>>) src(%arg10 : memref<128x128xf32, #tpu.memory_space<vmem>>) dst(%dma_wait3A_39 : memref<128x128xf32, #tpu.memory_space<vmem_shared>>)
      tpu.yield
    }) : () -> ()
    %add3A_7 = arith.constant 128 : i32
    %add3A_8 = arith.addi %mul3A_2, %add3A_7 : i32
    "tpu.region"() ({
      %run_scoped3A = tpu.sem_alloc : memref<!tpu.dma_semaphore, #tpu.memory_space<semaphore_mem>>
      %dma_start3A_33 = arith.constant 0 : i32
      %dma_start3A_34 = tpu.memref_slice %arg12[%add3A_8, %dma_start3A_33] : memref<10240x128xf32, #tpu.memory_space<vmem_shared>> -> memref<128x128xf32, #tpu.memory_space<vmem_shared>>
      %dma_start3A_35 = arith.constant 0 : i32
      %dma_start3A_36 = tpu.memref_slice %arg12[%add3A_8, %dma_start3A_35] : memref<10240x128xf32, #tpu.memory_space<vmem_shared>> -> memref<128x128xf32, #tpu.memory_space<vmem_shared>>
      tpu.enqueue_dma source(%arg10 : memref<128x128xf32, #tpu.memory_space<vmem>>) target(%dma_start3A_36 : memref<128x128xf32, #tpu.memory_space<vmem_shared>>) target_semaphore(%run_scoped3A : memref<!tpu.dma_semaphore, #tpu.memory_space<semaphore_mem>>)
      %dma_wait3A = arith.constant 0 : i32
      %dma_wait3A_37 = tpu.memref_slice %arg12[%add3A_8, %dma_wait3A] : memref<10240x128xf32, #tpu.memory_space<vmem_shared>> -> memref<128x128xf32, #tpu.memory_space<vmem_shared>>
      %dma_wait3A_38 = arith.constant 0 : i32
      %dma_wait3A_39 = tpu.memref_slice %arg12[%add3A_8, %dma_wait3A_38] : memref<10240x128xf32, #tpu.memory_space<vmem_shared>> -> memref<128x128xf32, #tpu.memory_space<vmem_shared>>
      tpu.wait_dma2 semaphore(%run_scoped3A : memref<!tpu.dma_semaphore, #tpu.memory_space<semaphore_mem>>) src(%arg10 : memref<128x128xf32, #tpu.memory_space<vmem>>) dst(%dma_wait3A_39 : memref<128x128xf32, #tpu.memory_space<vmem_shared>>)
      tpu.yield
    }) : () -> ()
    %add3A_9 = arith.constant 256 : i32
    %add3A_10 = arith.addi %mul3A_2, %add3A_9 : i32
    "tpu.region"() ({
      %run_scoped3A = tpu.sem_alloc : memref<!tpu.dma_semaphore, #tpu.memory_space<semaphore_mem>>
      %dma_start3A_33 = arith.constant 0 : i32
      %dma_start3A_34 = tpu.memref_slice %arg12[%add3A_10, %dma_start3A_33] : memref<10240x128xf32, #tpu.memory_space<vmem_shared>> -> memref<128x128xf32, #tpu.memory_space<vmem_shared>>
      %dma_start3A_35 = arith.constant 0 : i32
      %dma_start3A_36 = tpu.memref_slice %arg12[%add3A_10, %dma_start3A_35] : memref<10240x128xf32, #tpu.memory_space<vmem_shared>> -> memref<128x128xf32, #tpu.memory_space<vmem_shared>>
      tpu.enqueue_dma source(%arg10 : memref<128x128xf32, #tpu.memory_space<vmem>>) target(%dma_start3A_36 : memref<128x128xf32, #tpu.memory_space<vmem_shared>>) target_semaphore(%run_scoped3A : memref<!tpu.dma_semaphore, #tpu.memory_space<semaphore_mem>>)
      %dma_wait3A = arith.constant 0 : i32
      %dma_wait3A_37 = tpu.memref_slice %arg12[%add3A_10, %dma_wait3A] : memref<10240x128xf32, #tpu.memory_space<vmem_shared>> -> memref<128x128xf32, #tpu.memory_space<vmem_shared>>
      %dma_wait3A_38 = arith.constant 0 : i32
      %dma_wait3A_39 = tpu.memref_slice %arg12[%add3A_10, %dma_wait3A_38] : memref<10240x128xf32, #tpu.memory_space<vmem_shared>> -> memref<128x128xf32, #tpu.memory_space<vmem_shared>>
      tpu.wait_dma2 semaphore(%run_scoped3A : memref<!tpu.dma_semaphore, #tpu.memory_space<semaphore_mem>>) src(%arg10 : memref<128x128xf32, #tpu.memory_space<vmem>>) dst(%dma_wait3A_39 : memref<128x128xf32, #tpu.memory_space<vmem_shared>>)
      tpu.yield
    }) : () -> ()
    %add3A_11 = arith.constant 384 : i32
    %add3A_12 = arith.addi %mul3A_2, %add3A_11 : i32
    "tpu.region"() ({
      %run_scoped3A = tpu.sem_alloc : memref<!tpu.dma_semaphore, #tpu.memory_space<semaphore_mem>>
      %dma_start3A_33 = arith.constant 0 : i32
      %dma_start3A_34 = tpu.memref_slice %arg12[%add3A_12, %dma_start3A_33] : memref<10240x128xf32, #tpu.memory_space<vmem_shared>> -> memref<128x128xf32, #tpu.memory_space<vmem_shared>>
      %dma_start3A_35 = arith.constant 0 : i32
      %dma_start3A_36 = tpu.memref_slice %arg12[%add3A_12, %dma_start3A_35] : memref<10240x128xf32, #tpu.memory_space<vmem_shared>> -> memref<128x128xf32, #tpu.memory_space<vmem_shared>>
      tpu.enqueue_dma source(%arg10 : memref<128x128xf32, #tpu.memory_space<vmem>>) target(%dma_start3A_36 : memref<128x128xf32, #tpu.memory_space<vmem_shared>>) target_semaphore(%run_scoped3A : memref<!tpu.dma_semaphore, #tpu.memory_space<semaphore_mem>>)
      %dma_wait3A = arith.constant 0 : i32
      %dma_wait3A_37 = tpu.memref_slice %arg12[%add3A_12, %dma_wait3A] : memref<10240x128xf32, #tpu.memory_space<vmem_shared>> -> memref<128x128xf32, #tpu.memory_space<vmem_shared>>
      %dma_wait3A_38 = arith.constant 0 : i32
      %dma_wait3A_39 = tpu.memref_slice %arg12[%add3A_12, %dma_wait3A_38] : memref<10240x128xf32, #tpu.memory_space<vmem_shared>> -> memref<128x128xf32, #tpu.memory_space<vmem_shared>>
      tpu.wait_dma2 semaphore(%run_scoped3A : memref<!tpu.dma_semaphore, #tpu.memory_space<semaphore_mem>>) src(%arg10 : memref<128x128xf32, #tpu.memory_space<vmem>>) dst(%dma_wait3A_39 : memref<128x128xf32, #tpu.memory_space<vmem_shared>>)
      tpu.yield
    }) : () -> ()
    %add3A_13 = arith.constant 512 : i32
    %add3A_14 = arith.addi %mul3A_2, %add3A_13 : i32
    "tpu.region"() ({
      %run_scoped3A = tpu.sem_alloc : memref<!tpu.dma_semaphore, #tpu.memory_space<semaphore_mem>>
      %dma_start3A_33 = arith.constant 0 : i32
      %dma_start3A_34 = tpu.memref_slice %arg12[%add3A_14, %dma_start3A_33] : memref<10240x128xf32, #tpu.memory_space<vmem_shared>> -> memref<128x128xf32, #tpu.memory_space<vmem_shared>>
      %dma_start3A_35 = arith.constant 0 : i32
      %dma_start3A_36 = tpu.memref_slice %arg12[%add3A_14, %dma_start3A_35] : memref<10240x128xf32, #tpu.memory_space<vmem_shared>> -> memref<128x128xf32, #tpu.memory_space<vmem_shared>>
      tpu.enqueue_dma source(%arg10 : memref<128x128xf32, #tpu.memory_space<vmem>>) target(%dma_start3A_36 : memref<128x128xf32, #tpu.memory_space<vmem_shared>>) target_semaphore(%run_scoped3A : memref<!tpu.dma_semaphore, #tpu.memory_space<semaphore_mem>>)
      %dma_wait3A = arith.constant 0 : i32
      %dma_wait3A_37 = tpu.memref_slice %arg12[%add3A_14, %dma_wait3A] : memref<10240x128xf32, #tpu.memory_space<vmem_shared>> -> memref<128x128xf32, #tpu.memory_space<vmem_shared>>
      %dma_wait3A_38 = arith.constant 0 : i32
      %dma_wait3A_39 = tpu.memref_slice %arg12[%add3A_14, %dma_wait3A_38] : memref<10240x128xf32, #tpu.memory_space<vmem_shared>> -> memref<128x128xf32, #tpu.memory_space<vmem_shared>>
      tpu.wait_dma2 semaphore(%run_scoped3A : memref<!tpu.dma_semaphore, #tpu.memory_space<semaphore_mem>>) src(%arg10 : memref<128x128xf32, #tpu.memory_space<vmem>>) dst(%dma_wait3A_39 : memref<128x128xf32, #tpu.memory_space<vmem_shared>>)
      tpu.yield
    }) : () -> ()
    %barrier3A = arith.constant 0 : index
    tpu.barrier barrier_id(%barrier3A)
    "tpu.region"() ({
      %run_scoped3A = tpu.sem_alloc : memref<!tpu.dma_semaphore, #tpu.memory_space<semaphore_mem>>
      %dma_start3A_33 = arith.constant 0 : i32
      %dma_start3A_34 = tpu.memref_slice %arg3[%mul3A_4, %dma_start3A_33] : memref<2560x128xi32, #tpu.memory_space<hbm>> -> memref<1x128xi32, #tpu.memory_space<hbm>>
      %dma_start3A_35 = tpu.memref_squeeze %dma_start3A_34 : memref<1x128xi32, #tpu.memory_space<hbm>> -> memref<128xi32, #tpu.memory_space<hbm>>
      %dma_start3A_36 = arith.constant 0 : i32
      %dma_start3A_37 = tpu.memref_slice %arg3[%mul3A_4, %dma_start3A_36] : memref<2560x128xi32, #tpu.memory_space<hbm>> -> memref<1x128xi32, #tpu.memory_space<hbm>>
      %dma_start3A_38 = tpu.memref_squeeze %dma_start3A_37 : memref<1x128xi32, #tpu.memory_space<hbm>> -> memref<128xi32, #tpu.memory_space<hbm>>
      tpu.enqueue_dma source(%dma_start3A_38 : memref<128xi32, #tpu.memory_space<hbm>>) target(%arg7 : memref<128xi32, #tpu.memory_space<vmem>>) target_semaphore(%run_scoped3A : memref<!tpu.dma_semaphore, #tpu.memory_space<semaphore_mem>>)
      %dma_wait3A = arith.constant 0 : i32
      %dma_wait3A_39 = tpu.memref_slice %arg3[%mul3A_4, %dma_wait3A] : memref<2560x128xi32, #tpu.memory_space<hbm>> -> memref<1x128xi32, #tpu.memory_space<hbm>>
      %dma_wait3A_40 = tpu.memref_squeeze %dma_wait3A_39 : memref<1x128xi32, #tpu.memory_space<hbm>> -> memref<128xi32, #tpu.memory_space<hbm>>
      %dma_wait3A_41 = arith.constant 0 : i32
      %dma_wait3A_42 = tpu.memref_slice %arg3[%mul3A_4, %dma_wait3A_41] : memref<2560x128xi32, #tpu.memory_space<hbm>> -> memref<1x128xi32, #tpu.memory_space<hbm>>
      %dma_wait3A_43 = tpu.memref_squeeze %dma_wait3A_42 : memref<1x128xi32, #tpu.memory_space<hbm>> -> memref<128xi32, #tpu.memory_space<hbm>>
      tpu.wait_dma2 semaphore(%run_scoped3A : memref<!tpu.dma_semaphore, #tpu.memory_space<semaphore_mem>>) src(%dma_wait3A_43 : memref<128xi32, #tpu.memory_space<hbm>>) dst(%arg7 : memref<128xi32, #tpu.memory_space<vmem>>)
      tpu.yield
    }) : () -> ()
    %dma_start3A = arith.constant 0 : i32
    %dma_start3A_15 = arith.constant 0 : i32
    %dma_start3A_16 = tpu.memref_slice %arg2[%dma_start3A, %dma_start3A_15] : memref<10000x128xf32, #tpu.memory_space<hbm>> -> memref<10000x128xf32, #tpu.memory_space<hbm>>
    tpu.enqueue_indirect_dma source(%dma_start3A_16 : memref<10000x128xf32, #tpu.memory_space<hbm>>) target(%arg10 : memref<128x128xf32, #tpu.memory_space<vmem>>) offsets(%arg7 : memref<128xi32, #tpu.memory_space<vmem>>) semaphore(%arg13 : memref<!tpu.dma_semaphore, #tpu.memory_space<semaphore_mem>>)
    %scan3A = arith.constant 0 : i32
    %scan3A_17 = arith.constant 0 : i32
    %scan3A_18 = arith.constant 40 : i32
    %scan3A_19 = arith.addi %scan3A_17, %scan3A_18 : i32
    %scan3A_20 = arith.constant 1 : i32
    scf.for %scan3A_33 = %scan3A_17 to %scan3A_19 step %scan3A_20  : i32 {
      %mul3A_34 = arith.constant 2 : i32
      %mul3A_35 = arith.muli %mul3A_34, %scan3A_33 : i32
      %add3A_36 = arith.addi %mul3A_4, %mul3A_35 : i32
      %add3A_37 = arith.constant 1 : i32
      %add3A_38 = arith.addi %add3A_36, %add3A_37 : i32
      %dma_start3A_39 = arith.constant 0 : i32
      %dma_start3A_40 = tpu.memref_slice %arg3[%add3A_38, %dma_start3A_39] : memref<2560x128xi32, #tpu.memory_space<hbm>> -> memref<1x128xi32, #tpu.memory_space<hbm>>
      %dma_start3A_41 = tpu.memref_squeeze %dma_start3A_40 : memref<1x128xi32, #tpu.memory_space<hbm>> -> memref<128xi32, #tpu.memory_space<hbm>>
      %dma_start3A_42 = arith.constant 0 : i32
      %dma_start3A_43 = tpu.memref_slice %arg3[%add3A_38, %dma_start3A_42] : memref<2560x128xi32, #tpu.memory_space<hbm>> -> memref<1x128xi32, #tpu.memory_space<hbm>>
      %dma_start3A_44 = tpu.memref_squeeze %dma_start3A_43 : memref<1x128xi32, #tpu.memory_space<hbm>> -> memref<128xi32, #tpu.memory_space<hbm>>
      tpu.enqueue_dma source(%dma_start3A_44 : memref<128xi32, #tpu.memory_space<hbm>>) target(%arg8 : memref<128xi32, #tpu.memory_space<vmem>>) target_semaphore(%arg15 : memref<!tpu.dma_semaphore, #tpu.memory_space<semaphore_mem>>)
      %dma_wait3A = arith.constant 0 : i32
      %dma_wait3A_45 = arith.constant 0 : i32
      %dma_wait3A_46 = tpu.memref_slice %arg2[%dma_wait3A, %dma_wait3A_45] : memref<10000x128xf32, #tpu.memory_space<hbm>> -> memref<10000x128xf32, #tpu.memory_space<hbm>>
      tpu.wait_indirect_dma semaphore(%arg13 : memref<!tpu.dma_semaphore, #tpu.memory_space<semaphore_mem>>) src(%dma_wait3A_46 : memref<10000x128xf32, #tpu.memory_space<hbm>>) dst(%arg10 : memref<128x128xf32, #tpu.memory_space<vmem>>)
      %add3A_47 = arith.addi %mul3A_4, %mul3A_35 : i32
      %add3A_48 = arith.constant 1 : i32
      %add3A_49 = arith.addi %add3A_47, %add3A_48 : i32
      %dma_wait3A_50 = arith.constant 0 : i32
      %dma_wait3A_51 = tpu.memref_slice %arg3[%add3A_49, %dma_wait3A_50] : memref<2560x128xi32, #tpu.memory_space<hbm>> -> memref<1x128xi32, #tpu.memory_space<hbm>>
      %dma_wait3A_52 = tpu.memref_squeeze %dma_wait3A_51 : memref<1x128xi32, #tpu.memory_space<hbm>> -> memref<128xi32, #tpu.memory_space<hbm>>
      %dma_wait3A_53 = arith.constant 0 : i32
      %dma_wait3A_54 = tpu.memref_slice %arg3[%add3A_49, %dma_wait3A_53] : memref<2560x128xi32, #tpu.memory_space<hbm>> -> memref<1x128xi32, #tpu.memory_space<hbm>>
      %dma_wait3A_55 = tpu.memref_squeeze %dma_wait3A_54 : memref<1x128xi32, #tpu.memory_space<hbm>> -> memref<128xi32, #tpu.memory_space<hbm>>
      tpu.wait_dma2 semaphore(%arg15 : memref<!tpu.dma_semaphore, #tpu.memory_space<semaphore_mem>>) src(%dma_wait3A_55 : memref<128xi32, #tpu.memory_space<hbm>>) dst(%arg8 : memref<128xi32, #tpu.memory_space<vmem>>)
      %dma_start3A_56 = arith.constant 0 : i32
      %dma_start3A_57 = arith.constant 0 : i32
      %dma_start3A_58 = tpu.memref_slice %arg2[%dma_start3A_56, %dma_start3A_57] : memref<10000x128xf32, #tpu.memory_space<hbm>> -> memref<10000x128xf32, #tpu.memory_space<hbm>>
      tpu.enqueue_indirect_dma source(%dma_start3A_58 : memref<10000x128xf32, #tpu.memory_space<hbm>>) target(%arg11 : memref<128x128xf32, #tpu.memory_space<vmem>>) offsets(%arg8 : memref<128xi32, #tpu.memory_space<vmem>>) semaphore(%arg14 : memref<!tpu.dma_semaphore, #tpu.memory_space<semaphore_mem>>)
      "tpu.region"() ({
        %run_scoped3A = tpu.sem_alloc : memref<!tpu.dma_semaphore, #tpu.memory_space<semaphore_mem>>
        %dma_start3A_71 = arith.constant 0 : i32
        %dma_start3A_72 = tpu.memref_slice %arg9[%mul3A_35, %dma_start3A_71] : memref<80x128xi32, #tpu.memory_space<vmem>> -> memref<1x128xi32, #tpu.memory_space<vmem>>
        %dma_start3A_73 = tpu.memref_squeeze %dma_start3A_72 : memref<1x128xi32, #tpu.memory_space<vmem>> -> memref<128xi32, #tpu.memory_space<vmem>>
        %dma_start3A_74 = arith.constant 0 : i32
        %dma_start3A_75 = arith.constant 0 : i32
        %dma_start3A_76 = tpu.memref_slice %arg12[%dma_start3A_74, %dma_start3A_75] : memref<10240x128xf32, #tpu.memory_space<vmem_shared>> -> memref<10240x128xf32, #tpu.memory_space<vmem_shared>>
        tpu.enqueue_indirect_dma source(%arg10 : memref<128x128xf32, #tpu.memory_space<vmem>>) target(%dma_start3A_76 : memref<10240x128xf32, #tpu.memory_space<vmem_shared>>) offsets(%dma_start3A_73 : memref<128xi32, #tpu.memory_space<vmem>>) semaphore(%run_scoped3A : memref<!tpu.dma_semaphore, #tpu.memory_space<semaphore_mem>>) {add = true}
        %dma_wait3A_77 = arith.constant 0 : i32
        %dma_wait3A_78 = tpu.memref_slice %arg9[%mul3A_35, %dma_wait3A_77] : memref<80x128xi32, #tpu.memory_space<vmem>> -> memref<1x128xi32, #tpu.memory_space<vmem>>
        %dma_wait3A_79 = tpu.memref_squeeze %dma_wait3A_78 : memref<1x128xi32, #tpu.memory_space<vmem>> -> memref<128xi32, #tpu.memory_space<vmem>>
        %dma_wait3A_80 = arith.constant 0 : i32
        %dma_wait3A_81 = arith.constant 0 : i32
        %dma_wait3A_82 = tpu.memref_slice %arg12[%dma_wait3A_80, %dma_wait3A_81] : memref<10240x128xf32, #tpu.memory_space<vmem_shared>> -> memref<10240x128xf32, #tpu.memory_space<vmem_shared>>
        tpu.wait_indirect_dma semaphore(%run_scoped3A : memref<!tpu.dma_semaphore, #tpu.memory_space<semaphore_mem>>) src(%arg10 : memref<128x128xf32, #tpu.memory_space<vmem>>) dst(%dma_wait3A_82 : memref<10240x128xf32, #tpu.memory_space<vmem_shared>>)
        tpu.yield
      }) : () -> ()
      %lt3A = arith.constant 39 : i32
      %lt3A_59 = arith.cmpi slt, %scan3A_33, %lt3A : i32
      %convert_element_type3A = arith.extui %lt3A_59 : i1 to i32
      %cond3A = arith.constant 0 : i32
      %cond3A_60 = arith.cmpi ne, %convert_element_type3A, %cond3A : i32
      scf.if %cond3A_60 {
        %add3A_71 = arith.addi %mul3A_4, %mul3A_35 : i32
        %add3A_72 = arith.constant 2 : i32
        %add3A_73 = arith.addi %add3A_71, %add3A_72 : i32
        %dma_start3A_74 = arith.constant 0 : i32
        %dma_start3A_75 = tpu.memref_slice %arg3[%add3A_73, %dma_start3A_74] : memref<2560x128xi32, #tpu.memory_space<hbm>> -> memref<1x128xi32, #tpu.memory_space<hbm>>
        %dma_start3A_76 = tpu.memref_squeeze %dma_start3A_75 : memref<1x128xi32, #tpu.memory_space<hbm>> -> memref<128xi32, #tpu.memory_space<hbm>>
        %dma_start3A_77 = arith.constant 0 : i32
        %dma_start3A_78 = tpu.memref_slice %arg3[%add3A_73, %dma_start3A_77] : memref<2560x128xi32, #tpu.memory_space<hbm>> -> memref<1x128xi32, #tpu.memory_space<hbm>>
        %dma_start3A_79 = tpu.memref_squeeze %dma_start3A_78 : memref<1x128xi32, #tpu.memory_space<hbm>> -> memref<128xi32, #tpu.memory_space<hbm>>
        tpu.enqueue_dma source(%dma_start3A_79 : memref<128xi32, #tpu.memory_space<hbm>>) target(%arg7 : memref<128xi32, #tpu.memory_space<vmem>>) target_semaphore(%arg15 : memref<!tpu.dma_semaphore, #tpu.memory_space<semaphore_mem>>)
      } else {
      }
      %dma_wait3A_61 = arith.constant 0 : i32
      %dma_wait3A_62 = arith.constant 0 : i32
      %dma_wait3A_63 = tpu.memref_slice %arg2[%dma_wait3A_61, %dma_wait3A_62] : memref<10000x128xf32, #tpu.memory_space<hbm>> -> memref<10000x128xf32, #tpu.memory_space<hbm>>
      tpu.wait_indirect_dma semaphore(%arg14 : memref<!tpu.dma_semaphore, #tpu.memory_space<semaphore_mem>>) src(%dma_wait3A_63 : memref<10000x128xf32, #tpu.memory_space<hbm>>) dst(%arg11 : memref<128x128xf32, #tpu.memory_space<vmem>>)
      %lt3A_64 = arith.constant 39 : i32
      %lt3A_65 = arith.cmpi slt, %scan3A_33, %lt3A_64 : i32
      %convert_element_type3A_66 = arith.extui %lt3A_65 : i1 to i32
      %cond3A_67 = arith.constant 0 : i32
      %cond3A_68 = arith.cmpi ne, %convert_element_type3A_66, %cond3A_67 : i32
      scf.if %cond3A_68 {
        %add3A_71 = arith.addi %mul3A_4, %mul3A_35 : i32
        %add3A_72 = arith.constant 2 : i32
        %add3A_73 = arith.addi %add3A_71, %add3A_72 : i32
        %dma_wait3A_74 = arith.constant 0 : i32
        %dma_wait3A_75 = tpu.memref_slice %arg3[%add3A_73, %dma_wait3A_74] : memref<2560x128xi32, #tpu.memory_space<hbm>> -> memref<1x128xi32, #tpu.memory_space<hbm>>
        %dma_wait3A_76 = tpu.memref_squeeze %dma_wait3A_75 : memref<1x128xi32, #tpu.memory_space<hbm>> -> memref<128xi32, #tpu.memory_space<hbm>>
        %dma_wait3A_77 = arith.constant 0 : i32
        %dma_wait3A_78 = tpu.memref_slice %arg3[%add3A_73, %dma_wait3A_77] : memref<2560x128xi32, #tpu.memory_space<hbm>> -> memref<1x128xi32, #tpu.memory_space<hbm>>
        %dma_wait3A_79 = tpu.memref_squeeze %dma_wait3A_78 : memref<1x128xi32, #tpu.memory_space<hbm>> -> memref<128xi32, #tpu.memory_space<hbm>>
        tpu.wait_dma2 semaphore(%arg15 : memref<!tpu.dma_semaphore, #tpu.memory_space<semaphore_mem>>) src(%dma_wait3A_79 : memref<128xi32, #tpu.memory_space<hbm>>) dst(%arg7 : memref<128xi32, #tpu.memory_space<vmem>>)
        %dma_start3A_80 = arith.constant 0 : i32
        %dma_start3A_81 = arith.constant 0 : i32
        %dma_start3A_82 = tpu.memref_slice %arg2[%dma_start3A_80, %dma_start3A_81] : memref<10000x128xf32, #tpu.memory_space<hbm>> -> memref<10000x128xf32, #tpu.memory_space<hbm>>
        tpu.enqueue_indirect_dma source(%dma_start3A_82 : memref<10000x128xf32, #tpu.memory_space<hbm>>) target(%arg10 : memref<128x128xf32, #tpu.memory_space<vmem>>) offsets(%arg7 : memref<128xi32, #tpu.memory_space<vmem>>) semaphore(%arg13 : memref<!tpu.dma_semaphore, #tpu.memory_space<semaphore_mem>>)
      } else {
      }
      %add3A_69 = arith.constant 1 : i32
      %add3A_70 = arith.addi %mul3A_35, %add3A_69 : i32
      "tpu.region"() ({
        %run_scoped3A = tpu.sem_alloc : memref<!tpu.dma_semaphore, #tpu.memory_space<semaphore_mem>>
        %dma_start3A_71 = arith.constant 0 : i32
        %dma_start3A_72 = tpu.memref_slice %arg9[%add3A_70, %dma_start3A_71] : memref<80x128xi32, #tpu.memory_space<vmem>> -> memref<1x128xi32, #tpu.memory_space<vmem>>
        %dma_start3A_73 = tpu.memref_squeeze %dma_start3A_72 : memref<1x128xi32, #tpu.memory_space<vmem>> -> memref<128xi32, #tpu.memory_space<vmem>>
        %dma_start3A_74 = arith.constant 0 : i32
        %dma_start3A_75 = arith.constant 0 : i32
        %dma_start3A_76 = tpu.memref_slice %arg12[%dma_start3A_74, %dma_start3A_75] : memref<10240x128xf32, #tpu.memory_space<vmem_shared>> -> memref<10240x128xf32, #tpu.memory_space<vmem_shared>>
        tpu.enqueue_indirect_dma source(%arg11 : memref<128x128xf32, #tpu.memory_space<vmem>>) target(%dma_start3A_76 : memref<10240x128xf32, #tpu.memory_space<vmem_shared>>) offsets(%dma_start3A_73 : memref<128xi32, #tpu.memory_space<vmem>>) semaphore(%run_scoped3A : memref<!tpu.dma_semaphore, #tpu.memory_space<semaphore_mem>>) {add = true}
        %dma_wait3A_77 = arith.constant 0 : i32
        %dma_wait3A_78 = tpu.memref_slice %arg9[%add3A_70, %dma_wait3A_77] : memref<80x128xi32, #tpu.memory_space<vmem>> -> memref<1x128xi32, #tpu.memory_space<vmem>>
        %dma_wait3A_79 = tpu.memref_squeeze %dma_wait3A_78 : memref<1x128xi32, #tpu.memory_space<vmem>> -> memref<128xi32, #tpu.memory_space<vmem>>
        %dma_wait3A_80 = arith.constant 0 : i32
        %dma_wait3A_81 = arith.constant 0 : i32
        %dma_wait3A_82 = tpu.memref_slice %arg12[%dma_wait3A_80, %dma_wait3A_81] : memref<10240x128xf32, #tpu.memory_space<vmem_shared>> -> memref<10240x128xf32, #tpu.memory_space<vmem_shared>>
        tpu.wait_indirect_dma semaphore(%run_scoped3A : memref<!tpu.dma_semaphore, #tpu.memory_space<semaphore_mem>>) src(%arg11 : memref<128x128xf32, #tpu.memory_space<vmem>>) dst(%dma_wait3A_82 : memref<10240x128xf32, #tpu.memory_space<vmem_shared>>)
        tpu.yield
      }) : () -> ()
    }
    %scan3A_21 = arith.constant 40 : i32
    %barrier3A_22 = arith.constant 0 : index
    tpu.barrier barrier_id(%barrier3A_22)
    %add3A_23 = arith.constant 0 : i32
    %add3A_24 = arith.addi %mul3A_2, %add3A_23 : i32
    "tpu.region"() ({
      %run_scoped3A = tpu.sem_alloc : memref<!tpu.dma_semaphore, #tpu.memory_space<semaphore_mem>>
      %dma_start3A_33 = arith.constant 0 : i32
      %dma_start3A_34 = tpu.memref_slice %arg12[%add3A_24, %dma_start3A_33] : memref<10240x128xf32, #tpu.memory_space<vmem_shared>> -> memref<128x128xf32, #tpu.memory_space<vmem_shared>>
      %dma_start3A_35 = arith.constant 0 : i32
      %dma_start3A_36 = tpu.memref_slice %arg12[%add3A_24, %dma_start3A_35] : memref<10240x128xf32, #tpu.memory_space<vmem_shared>> -> memref<128x128xf32, #tpu.memory_space<vmem_shared>>
      tpu.enqueue_dma source(%dma_start3A_36 : memref<128x128xf32, #tpu.memory_space<vmem_shared>>) target(%arg10 : memref<128x128xf32, #tpu.memory_space<vmem>>) target_semaphore(%run_scoped3A : memref<!tpu.dma_semaphore, #tpu.memory_space<semaphore_mem>>)
      %dma_wait3A = arith.constant 0 : i32
      %dma_wait3A_37 = tpu.memref_slice %arg12[%add3A_24, %dma_wait3A] : memref<10240x128xf32, #tpu.memory_space<vmem_shared>> -> memref<128x128xf32, #tpu.memory_space<vmem_shared>>
      %dma_wait3A_38 = arith.constant 0 : i32
      %dma_wait3A_39 = tpu.memref_slice %arg12[%add3A_24, %dma_wait3A_38] : memref<10240x128xf32, #tpu.memory_space<vmem_shared>> -> memref<128x128xf32, #tpu.memory_space<vmem_shared>>
      tpu.wait_dma2 semaphore(%run_scoped3A : memref<!tpu.dma_semaphore, #tpu.memory_space<semaphore_mem>>) src(%dma_wait3A_39 : memref<128x128xf32, #tpu.memory_space<vmem_shared>>) dst(%arg10 : memref<128x128xf32, #tpu.memory_space<vmem>>)
      tpu.yield
    }) : () -> ()
    "tpu.region"() ({
      %run_scoped3A = tpu.sem_alloc : memref<!tpu.dma_semaphore, #tpu.memory_space<semaphore_mem>>
      %dma_start3A_33 = arith.constant 0 : i32
      %dma_start3A_34 = tpu.memref_slice %arg6[%arg0, %add3A_24, %dma_start3A_33] : memref<2x10240x128xf32, #tpu.memory_space<hbm>> -> memref<1x128x128xf32, #tpu.memory_space<hbm>>
      %dma_start3A_35 = tpu.memref_squeeze %dma_start3A_34 : memref<1x128x128xf32, #tpu.memory_space<hbm>> -> memref<128x128xf32, #tpu.memory_space<hbm>>
      %dma_start3A_36 = arith.constant 0 : i32
      %dma_start3A_37 = tpu.memref_slice %arg6[%arg0, %add3A_24, %dma_start3A_36] : memref<2x10240x128xf32, #tpu.memory_space<hbm>> -> memref<1x128x128xf32, #tpu.memory_space<hbm>>
      %dma_start3A_38 = tpu.memref_squeeze %dma_start3A_37 : memref<1x128x128xf32, #tpu.memory_space<hbm>> -> memref<128x128xf32, #tpu.memory_space<hbm>>
      tpu.enqueue_dma source(%arg10 : memref<128x128xf32, #tpu.memory_space<vmem>>) target(%dma_start3A_38 : memref<128x128xf32, #tpu.memory_space<hbm>>) target_semaphore(%run_scoped3A : memref<!tpu.dma_semaphore, #tpu.memory_space<semaphore_mem>>)
      %dma_wait3A = arith.constant 0 : i32
      %dma_wait3A_39 = tpu.memref_slice %arg6[%arg0, %add3A_24, %dma_wait3A] : memref<2x10240x128xf32, #tpu.memory_space<hbm>> -> memref<1x128x128xf32, #tpu.memory_space<hbm>>
      %dma_wait3A_40 = tpu.memref_squeeze %dma_wait3A_39 : memref<1x128x128xf32, #tpu.memory_space<hbm>> -> memref<128x128xf32, #tpu.memory_space<hbm>>
      %dma_wait3A_41 = arith.constant 0 : i32
      %dma_wait3A_42 = tpu.memref_slice %arg6[%arg0, %add3A_24, %dma_wait3A_41] : memref<2x10240x128xf32, #tpu.memory_space<hbm>> -> memref<1x128x128xf32, #tpu.memory_space<hbm>>
      %dma_wait3A_43 = tpu.memref_squeeze %dma_wait3A_42 : memref<1x128x128xf32, #tpu.memory_space<hbm>> -> memref<128x128xf32, #tpu.memory_space<hbm>>
      tpu.wait_dma2 semaphore(%run_scoped3A : memref<!tpu.dma_semaphore, #tpu.memory_space<semaphore_mem>>) src(%arg10 : memref<128x128xf32, #tpu.memory_space<vmem>>) dst(%dma_wait3A_43 : memref<128x128xf32, #tpu.memory_space<hbm>>)
      tpu.yield
    }) : () -> ()
    %add3A_25 = arith.constant 128 : i32
    %add3A_26 = arith.addi %mul3A_2, %add3A_25 : i32
    "tpu.region"() ({
      %run_scoped3A = tpu.sem_alloc : memref<!tpu.dma_semaphore, #tpu.memory_space<semaphore_mem>>
      %dma_start3A_33 = arith.constant 0 : i32
      %dma_start3A_34 = tpu.memref_slice %arg12[%add3A_26, %dma_start3A_33] : memref<10240x128xf32, #tpu.memory_space<vmem_shared>> -> memref<128x128xf32, #tpu.memory_space<vmem_shared>>
      %dma_start3A_35 = arith.constant 0 : i32
      %dma_start3A_36 = tpu.memref_slice %arg12[%add3A_26, %dma_start3A_35] : memref<10240x128xf32, #tpu.memory_space<vmem_shared>> -> memref<128x128xf32, #tpu.memory_space<vmem_shared>>
      tpu.enqueue_dma source(%dma_start3A_36 : memref<128x128xf32, #tpu.memory_space<vmem_shared>>) target(%arg10 : memref<128x128xf32, #tpu.memory_space<vmem>>) target_semaphore(%run_scoped3A : memref<!tpu.dma_semaphore, #tpu.memory_space<semaphore_mem>>)
      %dma_wait3A = arith.constant 0 : i32
      %dma_wait3A_37 = tpu.memref_slice %arg12[%add3A_26, %dma_wait3A] : memref<10240x128xf32, #tpu.memory_space<vmem_shared>> -> memref<128x128xf32, #tpu.memory_space<vmem_shared>>
      %dma_wait3A_38 = arith.constant 0 : i32
      %dma_wait3A_39 = tpu.memref_slice %arg12[%add3A_26, %dma_wait3A_38] : memref<10240x128xf32, #tpu.memory_space<vmem_shared>> -> memref<128x128xf32, #tpu.memory_space<vmem_shared>>
      tpu.wait_dma2 semaphore(%run_scoped3A : memref<!tpu.dma_semaphore, #tpu.memory_space<semaphore_mem>>) src(%dma_wait3A_39 : memref<128x128xf32, #tpu.memory_space<vmem_shared>>) dst(%arg10 : memref<128x128xf32, #tpu.memory_space<vmem>>)
      tpu.yield
    }) : () -> ()
    "tpu.region"() ({
      %run_scoped3A = tpu.sem_alloc : memref<!tpu.dma_semaphore, #tpu.memory_space<semaphore_mem>>
      %dma_start3A_33 = arith.constant 0 : i32
      %dma_start3A_34 = tpu.memref_slice %arg6[%arg0, %add3A_26, %dma_start3A_33] : memref<2x10240x128xf32, #tpu.memory_space<hbm>> -> memref<1x128x128xf32, #tpu.memory_space<hbm>>
      %dma_start3A_35 = tpu.memref_squeeze %dma_start3A_34 : memref<1x128x128xf32, #tpu.memory_space<hbm>> -> memref<128x128xf32, #tpu.memory_space<hbm>>
      %dma_start3A_36 = arith.constant 0 : i32
      %dma_start3A_37 = tpu.memref_slice %arg6[%arg0, %add3A_26, %dma_start3A_36] : memref<2x10240x128xf32, #tpu.memory_space<hbm>> -> memref<1x128x128xf32, #tpu.memory_space<hbm>>
      %dma_start3A_38 = tpu.memref_squeeze %dma_start3A_37 : memref<1x128x128xf32, #tpu.memory_space<hbm>> -> memref<128x128xf32, #tpu.memory_space<hbm>>
      tpu.enqueue_dma source(%arg10 : memref<128x128xf32, #tpu.memory_space<vmem>>) target(%dma_start3A_38 : memref<128x128xf32, #tpu.memory_space<hbm>>) target_semaphore(%run_scoped3A : memref<!tpu.dma_semaphore, #tpu.memory_space<semaphore_mem>>)
      %dma_wait3A = arith.constant 0 : i32
      %dma_wait3A_39 = tpu.memref_slice %arg6[%arg0, %add3A_26, %dma_wait3A] : memref<2x10240x128xf32, #tpu.memory_space<hbm>> -> memref<1x128x128xf32, #tpu.memory_space<hbm>>
      %dma_wait3A_40 = tpu.memref_squeeze %dma_wait3A_39 : memref<1x128x128xf32, #tpu.memory_space<hbm>> -> memref<128x128xf32, #tpu.memory_space<hbm>>
      %dma_wait3A_41 = arith.constant 0 : i32
      %dma_wait3A_42 = tpu.memref_slice %arg6[%arg0, %add3A_26, %dma_wait3A_41] : memref<2x10240x128xf32, #tpu.memory_space<hbm>> -> memref<1x128x128xf32, #tpu.memory_space<hbm>>
      %dma_wait3A_43 = tpu.memref_squeeze %dma_wait3A_42 : memref<1x128x128xf32, #tpu.memory_space<hbm>> -> memref<128x128xf32, #tpu.memory_space<hbm>>
      tpu.wait_dma2 semaphore(%run_scoped3A : memref<!tpu.dma_semaphore, #tpu.memory_space<semaphore_mem>>) src(%arg10 : memref<128x128xf32, #tpu.memory_space<vmem>>) dst(%dma_wait3A_43 : memref<128x128xf32, #tpu.memory_space<hbm>>)
      tpu.yield
    }) : () -> ()
    %add3A_27 = arith.constant 256 : i32
    %add3A_28 = arith.addi %mul3A_2, %add3A_27 : i32
    "tpu.region"() ({
      %run_scoped3A = tpu.sem_alloc : memref<!tpu.dma_semaphore, #tpu.memory_space<semaphore_mem>>
      %dma_start3A_33 = arith.constant 0 : i32
      %dma_start3A_34 = tpu.memref_slice %arg12[%add3A_28, %dma_start3A_33] : memref<10240x128xf32, #tpu.memory_space<vmem_shared>> -> memref<128x128xf32, #tpu.memory_space<vmem_shared>>
      %dma_start3A_35 = arith.constant 0 : i32
      %dma_start3A_36 = tpu.memref_slice %arg12[%add3A_28, %dma_start3A_35] : memref<10240x128xf32, #tpu.memory_space<vmem_shared>> -> memref<128x128xf32, #tpu.memory_space<vmem_shared>>
      tpu.enqueue_dma source(%dma_start3A_36 : memref<128x128xf32, #tpu.memory_space<vmem_shared>>) target(%arg10 : memref<128x128xf32, #tpu.memory_space<vmem>>) target_semaphore(%run_scoped3A : memref<!tpu.dma_semaphore, #tpu.memory_space<semaphore_mem>>)
      %dma_wait3A = arith.constant 0 : i32
      %dma_wait3A_37 = tpu.memref_slice %arg12[%add3A_28, %dma_wait3A] : memref<10240x128xf32, #tpu.memory_space<vmem_shared>> -> memref<128x128xf32, #tpu.memory_space<vmem_shared>>
      %dma_wait3A_38 = arith.constant 0 : i32
      %dma_wait3A_39 = tpu.memref_slice %arg12[%add3A_28, %dma_wait3A_38] : memref<10240x128xf32, #tpu.memory_space<vmem_shared>> -> memref<128x128xf32, #tpu.memory_space<vmem_shared>>
      tpu.wait_dma2 semaphore(%run_scoped3A : memref<!tpu.dma_semaphore, #tpu.memory_space<semaphore_mem>>) src(%dma_wait3A_39 : memref<128x128xf32, #tpu.memory_space<vmem_shared>>) dst(%arg10 : memref<128x128xf32, #tpu.memory_space<vmem>>)
      tpu.yield
    }) : () -> ()
    "tpu.region"() ({
      %run_scoped3A = tpu.sem_alloc : memref<!tpu.dma_semaphore, #tpu.memory_space<semaphore_mem>>
      %dma_start3A_33 = arith.constant 0 : i32
      %dma_start3A_34 = tpu.memref_slice %arg6[%arg0, %add3A_28, %dma_start3A_33] : memref<2x10240x128xf32, #tpu.memory_space<hbm>> -> memref<1x128x128xf32, #tpu.memory_space<hbm>>
      %dma_start3A_35 = tpu.memref_squeeze %dma_start3A_34 : memref<1x128x128xf32, #tpu.memory_space<hbm>> -> memref<128x128xf32, #tpu.memory_space<hbm>>
      %dma_start3A_36 = arith.constant 0 : i32
      %dma_start3A_37 = tpu.memref_slice %arg6[%arg0, %add3A_28, %dma_start3A_36] : memref<2x10240x128xf32, #tpu.memory_space<hbm>> -> memref<1x128x128xf32, #tpu.memory_space<hbm>>
      %dma_start3A_38 = tpu.memref_squeeze %dma_start3A_37 : memref<1x128x128xf32, #tpu.memory_space<hbm>> -> memref<128x128xf32, #tpu.memory_space<hbm>>
      tpu.enqueue_dma source(%arg10 : memref<128x128xf32, #tpu.memory_space<vmem>>) target(%dma_start3A_38 : memref<128x128xf32, #tpu.memory_space<hbm>>) target_semaphore(%run_scoped3A : memref<!tpu.dma_semaphore, #tpu.memory_space<semaphore_mem>>)
      %dma_wait3A = arith.constant 0 : i32
      %dma_wait3A_39 = tpu.memref_slice %arg6[%arg0, %add3A_28, %dma_wait3A] : memref<2x10240x128xf32, #tpu.memory_space<hbm>> -> memref<1x128x128xf32, #tpu.memory_space<hbm>>
      %dma_wait3A_40 = tpu.memref_squeeze %dma_wait3A_39 : memref<1x128x128xf32, #tpu.memory_space<hbm>> -> memref<128x128xf32, #tpu.memory_space<hbm>>
      %dma_wait3A_41 = arith.constant 0 : i32
      %dma_wait3A_42 = tpu.memref_slice %arg6[%arg0, %add3A_28, %dma_wait3A_41] : memref<2x10240x128xf32, #tpu.memory_space<hbm>> -> memref<1x128x128xf32, #tpu.memory_space<hbm>>
      %dma_wait3A_43 = tpu.memref_squeeze %dma_wait3A_42 : memref<1x128x128xf32, #tpu.memory_space<hbm>> -> memref<128x128xf32, #tpu.memory_space<hbm>>
      tpu.wait_dma2 semaphore(%run_scoped3A : memref<!tpu.dma_semaphore, #tpu.memory_space<semaphore_mem>>) src(%arg10 : memref<128x128xf32, #tpu.memory_space<vmem>>) dst(%dma_wait3A_43 : memref<128x128xf32, #tpu.memory_space<hbm>>)
      tpu.yield
    }) : () -> ()
    %add3A_29 = arith.constant 384 : i32
    %add3A_30 = arith.addi %mul3A_2, %add3A_29 : i32
    "tpu.region"() ({
      %run_scoped3A = tpu.sem_alloc : memref<!tpu.dma_semaphore, #tpu.memory_space<semaphore_mem>>
      %dma_start3A_33 = arith.constant 0 : i32
      %dma_start3A_34 = tpu.memref_slice %arg12[%add3A_30, %dma_start3A_33] : memref<10240x128xf32, #tpu.memory_space<vmem_shared>> -> memref<128x128xf32, #tpu.memory_space<vmem_shared>>
      %dma_start3A_35 = arith.constant 0 : i32
      %dma_start3A_36 = tpu.memref_slice %arg12[%add3A_30, %dma_start3A_35] : memref<10240x128xf32, #tpu.memory_space<vmem_shared>> -> memref<128x128xf32, #tpu.memory_space<vmem_shared>>
      tpu.enqueue_dma source(%dma_start3A_36 : memref<128x128xf32, #tpu.memory_space<vmem_shared>>) target(%arg10 : memref<128x128xf32, #tpu.memory_space<vmem>>) target_semaphore(%run_scoped3A : memref<!tpu.dma_semaphore, #tpu.memory_space<semaphore_mem>>)
      %dma_wait3A = arith.constant 0 : i32
      %dma_wait3A_37 = tpu.memref_slice %arg12[%add3A_30, %dma_wait3A] : memref<10240x128xf32, #tpu.memory_space<vmem_shared>> -> memref<128x128xf32, #tpu.memory_space<vmem_shared>>
      %dma_wait3A_38 = arith.constant 0 : i32
      %dma_wait3A_39 = tpu.memref_slice %arg12[%add3A_30, %dma_wait3A_38] : memref<10240x128xf32, #tpu.memory_space<vmem_shared>> -> memref<128x128xf32, #tpu.memory_space<vmem_shared>>
      tpu.wait_dma2 semaphore(%run_scoped3A : memref<!tpu.dma_semaphore, #tpu.memory_space<semaphore_mem>>) src(%dma_wait3A_39 : memref<128x128xf32, #tpu.memory_space<vmem_shared>>) dst(%arg10 : memref<128x128xf32, #tpu.memory_space<vmem>>)
      tpu.yield
    }) : () -> ()
    "tpu.region"() ({
      %run_scoped3A = tpu.sem_alloc : memref<!tpu.dma_semaphore, #tpu.memory_space<semaphore_mem>>
      %dma_start3A_33 = arith.constant 0 : i32
      %dma_start3A_34 = tpu.memref_slice %arg6[%arg0, %add3A_30, %dma_start3A_33] : memref<2x10240x128xf32, #tpu.memory_space<hbm>> -> memref<1x128x128xf32, #tpu.memory_space<hbm>>
      %dma_start3A_35 = tpu.memref_squeeze %dma_start3A_34 : memref<1x128x128xf32, #tpu.memory_space<hbm>> -> memref<128x128xf32, #tpu.memory_space<hbm>>
      %dma_start3A_36 = arith.constant 0 : i32
      %dma_start3A_37 = tpu.memref_slice %arg6[%arg0, %add3A_30, %dma_start3A_36] : memref<2x10240x128xf32, #tpu.memory_space<hbm>> -> memref<1x128x128xf32, #tpu.memory_space<hbm>>
      %dma_start3A_38 = tpu.memref_squeeze %dma_start3A_37 : memref<1x128x128xf32, #tpu.memory_space<hbm>> -> memref<128x128xf32, #tpu.memory_space<hbm>>
      tpu.enqueue_dma source(%arg10 : memref<128x128xf32, #tpu.memory_space<vmem>>) target(%dma_start3A_38 : memref<128x128xf32, #tpu.memory_space<hbm>>) target_semaphore(%run_scoped3A : memref<!tpu.dma_semaphore, #tpu.memory_space<semaphore_mem>>)
      %dma_wait3A = arith.constant 0 : i32
      %dma_wait3A_39 = tpu.memref_slice %arg6[%arg0, %add3A_30, %dma_wait3A] : memref<2x10240x128xf32, #tpu.memory_space<hbm>> -> memref<1x128x128xf32, #tpu.memory_space<hbm>>
      %dma_wait3A_40 = tpu.memref_squeeze %dma_wait3A_39 : memref<1x128x128xf32, #tpu.memory_space<hbm>> -> memref<128x128xf32, #tpu.memory_space<hbm>>
      %dma_wait3A_41 = arith.constant 0 : i32
      %dma_wait3A_42 = tpu.memref_slice %arg6[%arg0, %add3A_30, %dma_wait3A_41] : memref<2x10240x128xf32, #tpu.memory_space<hbm>> -> memref<1x128x128xf32, #tpu.memory_space<hbm>>
      %dma_wait3A_43 = tpu.memref_squeeze %dma_wait3A_42 : memref<1x128x128xf32, #tpu.memory_space<hbm>> -> memref<128x128xf32, #tpu.memory_space<hbm>>
      tpu.wait_dma2 semaphore(%run_scoped3A : memref<!tpu.dma_semaphore, #tpu.memory_space<semaphore_mem>>) src(%arg10 : memref<128x128xf32, #tpu.memory_space<vmem>>) dst(%dma_wait3A_43 : memref<128x128xf32, #tpu.memory_space<hbm>>)
      tpu.yield
    }) : () -> ()
    %add3A_31 = arith.constant 512 : i32
    %add3A_32 = arith.addi %mul3A_2, %add3A_31 : i32
    "tpu.region"() ({
      %run_scoped3A = tpu.sem_alloc : memref<!tpu.dma_semaphore, #tpu.memory_space<semaphore_mem>>
      %dma_start3A_33 = arith.constant 0 : i32
      %dma_start3A_34 = tpu.memref_slice %arg12[%add3A_32, %dma_start3A_33] : memref<10240x128xf32, #tpu.memory_space<vmem_shared>> -> memref<128x128xf32, #tpu.memory_space<vmem_shared>>
      %dma_start3A_35 = arith.constant 0 : i32
      %dma_start3A_36 = tpu.memref_slice %arg12[%add3A_32, %dma_start3A_35] : memref<10240x128xf32, #tpu.memory_space<vmem_shared>> -> memref<128x128xf32, #tpu.memory_space<vmem_shared>>
      tpu.enqueue_dma source(%dma_start3A_36 : memref<128x128xf32, #tpu.memory_space<vmem_shared>>) target(%arg10 : memref<128x128xf32, #tpu.memory_space<vmem>>) target_semaphore(%run_scoped3A : memref<!tpu.dma_semaphore, #tpu.memory_space<semaphore_mem>>)
      %dma_wait3A = arith.constant 0 : i32
      %dma_wait3A_37 = tpu.memref_slice %arg12[%add3A_32, %dma_wait3A] : memref<10240x128xf32, #tpu.memory_space<vmem_shared>> -> memref<128x128xf32, #tpu.memory_space<vmem_shared>>
      %dma_wait3A_38 = arith.constant 0 : i32
      %dma_wait3A_39 = tpu.memref_slice %arg12[%add3A_32, %dma_wait3A_38] : memref<10240x128xf32, #tpu.memory_space<vmem_shared>> -> memref<128x128xf32, #tpu.memory_space<vmem_shared>>
      tpu.wait_dma2 semaphore(%run_scoped3A : memref<!tpu.dma_semaphore, #tpu.memory_space<semaphore_mem>>) src(%dma_wait3A_39 : memref<128x128xf32, #tpu.memory_space<vmem_shared>>) dst(%arg10 : memref<128x128xf32, #tpu.memory_space<vmem>>)
      tpu.yield
    }) : () -> ()
    "tpu.region"() ({
      %run_scoped3A = tpu.sem_alloc : memref<!tpu.dma_semaphore, #tpu.memory_space<semaphore_mem>>
      %dma_start3A_33 = arith.constant 0 : i32
      %dma_start3A_34 = tpu.memref_slice %arg6[%arg0, %add3A_32, %dma_start3A_33] : memref<2x10240x128xf32, #tpu.memory_space<hbm>> -> memref<1x128x128xf32, #tpu.memory_space<hbm>>
      %dma_start3A_35 = tpu.memref_squeeze %dma_start3A_34 : memref<1x128x128xf32, #tpu.memory_space<hbm>> -> memref<128x128xf32, #tpu.memory_space<hbm>>
      %dma_start3A_36 = arith.constant 0 : i32
      %dma_start3A_37 = tpu.memref_slice %arg6[%arg0, %add3A_32, %dma_start3A_36] : memref<2x10240x128xf32, #tpu.memory_space<hbm>> -> memref<1x128x128xf32, #tpu.memory_space<hbm>>
      %dma_start3A_38 = tpu.memref_squeeze %dma_start3A_37 : memref<1x128x128xf32, #tpu.memory_space<hbm>> -> memref<128x128xf32, #tpu.memory_space<hbm>>
      tpu.enqueue_dma source(%arg10 : memref<128x128xf32, #tpu.memory_space<vmem>>) target(%dma_start3A_38 : memref<128x128xf32, #tpu.memory_space<hbm>>) target_semaphore(%run_scoped3A : memref<!tpu.dma_semaphore, #tpu.memory_space<semaphore_mem>>)
      %dma_wait3A = arith.constant 0 : i32
      %dma_wait3A_39 = tpu.memref_slice %arg6[%arg0, %add3A_32, %dma_wait3A] : memref<2x10240x128xf32, #tpu.memory_space<hbm>> -> memref<1x128x128xf32, #tpu.memory_space<hbm>>
      %dma_wait3A_40 = tpu.memref_squeeze %dma_wait3A_39 : memref<1x128x128xf32, #tpu.memory_space<hbm>> -> memref<128x128xf32, #tpu.memory_space<hbm>>
      %dma_wait3A_41 = arith.constant 0 : i32
      %dma_wait3A_42 = tpu.memref_slice %arg6[%arg0, %add3A_32, %dma_wait3A_41] : memref<2x10240x128xf32, #tpu.memory_space<hbm>> -> memref<1x128x128xf32, #tpu.memory_space<hbm>>
      %dma_wait3A_43 = tpu.memref_squeeze %dma_wait3A_42 : memref<1x128x128xf32, #tpu.memory_space<hbm>> -> memref<128x128xf32, #tpu.memory_space<hbm>>
      tpu.wait_dma2 semaphore(%run_scoped3A : memref<!tpu.dma_semaphore, #tpu.memory_space<semaphore_mem>>) src(%arg10 : memref<128x128xf32, #tpu.memory_space<vmem>>) dst(%dma_wait3A_43 : memref<128x128xf32, #tpu.memory_space<hbm>>)
      tpu.yield
    }) : () -> ()
    return
  }
}

module attributes {stable_mosaic.version = 14 : i64} {
  func.func @body(%arg0: i32, %arg1: memref<400x128xf32, #tpu.memory_space<vmem>>, %arg2: memref<128x128xf32, #tpu.memory_space<vmem>>, %arg3: memref<400x128xf32, #tpu.memory_space<vmem>>) attributes {dimension_semantics = [#tpu.dimension_semantics<arbitrary>], iteration_bounds = array<i64: 25>, scalar_prefetch = 0 : i64, scratch_operands = 0 : i64, tpu.core_type = #tpu.core_type<tc>, window_params = [{transform_indices = @transform_0, window_bounds = array<i64: 400, 128>}, {pipeline_mode = #tpu.pipeline_mode<synchronous>, transform_indices = @transform_1, window_bounds = array<i64: 128, 128>}, {transform_indices = @transform_2, window_bounds = array<i64: 400, 128>}]} {
    %get3A = arith.constant 0 : index
    %get3A_0 = arith.constant 0 : index
    %get3A_1 = vector.load %arg1[%get3A, %get3A_0] : memref<400x128xf32, #tpu.memory_space<vmem>>, vector<400x128xf32>
    %get3A_2 = arith.constant 0 : index
    %get3A_3 = arith.constant 0 : index
    %get3A_4 = vector.load %arg2[%get3A_2, %get3A_3] : memref<128x128xf32, #tpu.memory_space<vmem>>, vector<128x128xf32>
    %dot_general3A = arith.constant dense<0.000000e+00> : vector<400x128xf32>
    %dot_general3A_5 = tpu.matmul %get3A_1, %get3A_4, %dot_general3A {dimension_numbers = #tpu.dot_dimension_numbers<[1], [0], [0], [1], [0, 0, 1, 1], [], []>, transpose_lhs_hint = false} : vector<400x128xf32>, vector<128x128xf32>, vector<400x128xf32> -> vector<400x128xf32>
    %swap3A = arith.constant 0 : index
    %swap3A_6 = arith.constant 0 : index
    %swap3A_7 = vector.load %arg3[%swap3A, %swap3A_6] : memref<400x128xf32, #tpu.memory_space<vmem>>, vector<400x128xf32>
    tpu.vector_store %arg3[%swap3A, %swap3A_6], %dot_general3A_5 {strides = array<i32>} : memref<400x128xf32, #tpu.memory_space<vmem>>, vector<400x128xf32>,
    return
  }
  func.func @transform_0(%arg0: i32) -> (i32, i32) {
    %c0_i32 = arith.constant 0 : i32
    %c0_i32_0 = arith.constant 0 : i32
    return %arg0, %c0_i32 : i32, i32
  }
  func.func @transform_1(%arg0: i32) -> (i32, i32) {
    %c0_i32 = arith.constant 0 : i32
    %c0_i32_0 = arith.constant 0 : i32
    %c0_i32_1 = arith.constant 0 : i32
    return %c0_i32, %c0_i32_0 : i32, i32
  }
  func.func @transform_2(%arg0: i32) -> (i32, i32) {
    %c0_i32 = arith.constant 0 : i32
    %c0_i32_0 = arith.constant 0 : i32
    return %arg0, %c0_i32 : i32, i32
  }
}

module attributes {stable_mosaic.version = 14 : i64} {
  func.func @body(%arg0: i32, %arg1: memref<32x10240xf32, #tpu.memory_space<vmem>>, %arg2: memref<32x10240xf32, #tpu.memory_space<vmem>>, %arg3: memref<10240x1xf32, #tpu.memory_space<vmem>>, %arg4: memref<10240x1xf32, #tpu.memory_space<vmem>>) attributes {dimension_semantics = [#tpu.dimension_semantics<arbitrary>], iteration_bounds = array<i64: 1>, scalar_prefetch = 0 : i64, scratch_operands = 0 : i64, tpu.core_type = #tpu.core_type<tc>, window_params = [{pipeline_mode = #tpu.pipeline_mode<synchronous>, transform_indices = @transform_0, window_bounds = array<i64: 32, 10240>}, {pipeline_mode = #tpu.pipeline_mode<synchronous>, transform_indices = @transform_1, window_bounds = array<i64: 32, 10240>}, {pipeline_mode = #tpu.pipeline_mode<synchronous>, transform_indices = @transform_2, window_bounds = array<i64: 10240, 1>}, {pipeline_mode = #tpu.pipeline_mode<synchronous>, transform_indices = @transform_3, window_bounds = array<i64: 10240, 1>}]} {
    %broadcast_in_dim3A = arith.constant 1.000000e+00 : f32
    %broadcast_in_dim3A_0 = vector.broadcast %broadcast_in_dim3A : f32 to vector<32x1xf32>
    %get3A = arith.constant 0 : index
    %get3A_1 = arith.constant 0 : index
    %get3A_2 = vector.load %arg1[%get3A, %get3A_1] : memref<32x10240xf32, #tpu.memory_space<vmem>>, vector<32x10240xf32>
    %dot_general3A = arith.constant dense<0.000000e+00> : vector<10240x1xf32>
    %dot_general3A_3 = tpu.matmul %get3A_2, %broadcast_in_dim3A_0, %dot_general3A {dimension_numbers = #tpu.dot_dimension_numbers<[0], [0], [1], [1], [0, 1, 1, 1], [], []>, transpose_lhs_hint = false} : vector<32x10240xf32>, vector<32x1xf32>, vector<10240x1xf32> -> vector<10240x1xf32>
    %max3A = arith.constant 1.000000e+00 : f32
    %max3A_4 = vector.broadcast %max3A : f32 to vector<10240x1xf32>
    %max3A_5 = arith.maximumf %dot_general3A_3, %max3A_4 : vector<10240x1xf32>
    %swap3A = arith.constant 0 : index
    %swap3A_6 = arith.constant 0 : index
    %swap3A_7 = vector.load %arg3[%swap3A, %swap3A_6] : memref<10240x1xf32, #tpu.memory_space<vmem>>, vector<10240x1xf32>
    tpu.vector_store %arg3[%swap3A, %swap3A_6], %max3A_5 {strides = array<i32>} : memref<10240x1xf32, #tpu.memory_space<vmem>>, vector<10240x1xf32>,
    %get3A_8 = arith.constant 0 : index
    %get3A_9 = arith.constant 0 : index
    %get3A_10 = vector.load %arg2[%get3A_8, %get3A_9] : memref<32x10240xf32, #tpu.memory_space<vmem>>, vector<32x10240xf32>
    %dot_general3A_11 = arith.constant dense<0.000000e+00> : vector<10240x1xf32>
    %dot_general3A_12 = tpu.matmul %get3A_10, %broadcast_in_dim3A_0, %dot_general3A_11 {dimension_numbers = #tpu.dot_dimension_numbers<[0], [0], [1], [1], [0, 1, 1, 1], [], []>, transpose_lhs_hint = false} : vector<32x10240xf32>, vector<32x1xf32>, vector<10240x1xf32> -> vector<10240x1xf32>
    %max3A_13 = arith.constant 1.000000e+00 : f32
    %max3A_14 = vector.broadcast %max3A_13 : f32 to vector<10240x1xf32>
    %max3A_15 = arith.maximumf %dot_general3A_12, %max3A_14 : vector<10240x1xf32>
    %swap3A_16 = arith.constant 0 : index
    %swap3A_17 = arith.constant 0 : index
    %swap3A_18 = vector.load %arg4[%swap3A_16, %swap3A_17] : memref<10240x1xf32, #tpu.memory_space<vmem>>, vector<10240x1xf32>
    tpu.vector_store %arg4[%swap3A_16, %swap3A_17], %max3A_15 {strides = array<i32>} : memref<10240x1xf32, #tpu.memory_space<vmem>>, vector<10240x1xf32>,
    return
  }
  func.func @transform_0(%arg0: i32) -> (i32, i32) {
    %c0_i32 = arith.constant 0 : i32
    %c0_i32_0 = arith.constant 0 : i32
    %c0_i32_1 = arith.constant 0 : i32
    return %c0_i32, %c0_i32_0 : i32, i32
  }
  func.func @transform_1(%arg0: i32) -> (i32, i32) {
    %c0_i32 = arith.constant 0 : i32
    %c0_i32_0 = arith.constant 0 : i32
    %c0_i32_1 = arith.constant 0 : i32
    return %c0_i32, %c0_i32_0 : i32, i32
  }
  func.func @transform_2(%arg0: i32) -> (i32, i32) {
    %c0_i32 = arith.constant 0 : i32
    %c0_i32_0 = arith.constant 0 : i32
    %c0_i32_1 = arith.constant 0 : i32
    return %c0_i32, %c0_i32_0 : i32, i32
  }
  func.func @transform_3(%arg0: i32) -> (i32, i32) {
    %c0_i32 = arith.constant 0 : i32
    %c0_i32_0 = arith.constant 0 : i32
    %c0_i32_1 = arith.constant 0 : i32
    return %c0_i32, %c0_i32_0 : i32, i32
  }
}

module attributes {stable_mosaic.version = 14 : i64} {
  func.func @body(%arg0: i32, %arg1: memref<400x128xf32, #tpu.memory_space<vmem>>, %arg2: memref<400x128xf32, #tpu.memory_space<vmem>>, %arg3: memref<400x128xf32, #tpu.memory_space<vmem>>, %arg4: memref<400x1xf32, #tpu.memory_space<vmem>>, %arg5: memref<128x128xf32, #tpu.memory_space<vmem>>, %arg6: memref<1x128xf32, #tpu.memory_space<vmem>>, %arg7: memref<128x40xf32, #tpu.memory_space<vmem>>, %arg8: memref<1x40xf32, #tpu.memory_space<vmem>>, %arg9: memref<400x128xf32, #tpu.memory_space<vmem>>, %arg10: memref<400x40xf32, #tpu.memory_space<vmem>>) attributes {dimension_semantics = [#tpu.dimension_semantics<arbitrary>], iteration_bounds = array<i64: 25>, scalar_prefetch = 0 : i64, scratch_operands = 0 : i64, tpu.core_type = #tpu.core_type<tc>, window_params = [{transform_indices = @transform_0, window_bounds = array<i64: 400, 128>}, {transform_indices = @transform_1, window_bounds = array<i64: 400, 128>}, {transform_indices = @transform_2, window_bounds = array<i64: 400, 128>}, {transform_indices = @transform_3, window_bounds = array<i64: 400, 1>}, {pipeline_mode = #tpu.pipeline_mode<synchronous>, transform_indices = @transform_4, window_bounds = array<i64: 128, 128>}, {pipeline_mode = #tpu.pipeline_mode<synchronous>, transform_indices = @transform_5, window_bounds = array<i64: 1, 128>}, {pipeline_mode = #tpu.pipeline_mode<synchronous>, transform_indices = @transform_6, window_bounds = array<i64: 128, 40>}, {pipeline_mode = #tpu.pipeline_mode<synchronous>, transform_indices = @transform_7, window_bounds = array<i64: 1, 40>}, {transform_indices = @transform_8, window_bounds = array<i64: 400, 128>}, {transform_indices = @transform_9, window_bounds = array<i64: 400, 40>}]} {
    %get3A = arith.constant 0 : index
    %get3A_0 = arith.constant 0 : index
    %get3A_1 = vector.load %arg2[%get3A, %get3A_0] : memref<400x128xf32, #tpu.memory_space<vmem>>, vector<400x128xf32>
    %get3A_2 = arith.constant 0 : index
    %get3A_3 = arith.constant 0 : index
    %get3A_4 = vector.load %arg3[%get3A_2, %get3A_3] : memref<400x128xf32, #tpu.memory_space<vmem>>, vector<400x128xf32>
    %add3A = arith.addf %get3A_1, %get3A_4 : vector<400x128xf32>
    %get3A_5 = arith.constant 0 : index
    %get3A_6 = arith.constant 0 : index
    %get3A_7 = vector.load %arg4[%get3A_5, %get3A_6] : memref<400x1xf32, #tpu.memory_space<vmem>>, vector<400x1xf32>
    %get3A_8 = arith.constant 0 : index
    %get3A_9 = arith.constant 0 : index
    %get3A_10 = vector.load %arg1[%get3A_8, %get3A_9] : memref<400x128xf32, #tpu.memory_space<vmem>>, vector<400x128xf32>
    %get3A_11 = arith.constant 0 : index
    %get3A_12 = arith.constant 0 : index
    %get3A_13 = vector.load %arg5[%get3A_11, %get3A_12] : memref<128x128xf32, #tpu.memory_space<vmem>>, vector<128x128xf32>
    %dot_general3A = arith.constant dense<0.000000e+00> : vector<400x128xf32>
    %dot_general3A_14 = tpu.matmul %get3A_10, %get3A_13, %dot_general3A {dimension_numbers = #tpu.dot_dimension_numbers<[1], [0], [0], [1], [0, 0, 1, 1], [], []>, transpose_lhs_hint = false} : vector<400x128xf32>, vector<128x128xf32>, vector<400x128xf32> -> vector<400x128xf32>
    %get3A_15 = arith.constant 0 : index
    %get3A_16 = arith.constant 0 : index
    %get3A_17 = vector.load %arg6[%get3A_15, %get3A_16] : memref<1x128xf32, #tpu.memory_space<vmem>>, vector<1x128xf32>
    %add3A_18 = vector.broadcast %get3A_17 : vector<1x128xf32> to vector<400x128xf32>
    %add3A_19 = arith.addf %dot_general3A_14, %add3A_18 : vector<400x128xf32>
    %div3A = vector.broadcast %get3A_7 : vector<400x1xf32> to vector<400x128xf32>
    %div3A_20 = arith.divf %add3A, %div3A : vector<400x128xf32>
    %add3A_21 = arith.addf %add3A_19, %div3A_20 : vector<400x128xf32>
    %max3A = arith.constant 0.000000e+00 : f32
    %max3A_22 = vector.broadcast %max3A : f32 to vector<400x128xf32>
    %max3A_23 = arith.maximumf %add3A_21, %max3A_22 : vector<400x128xf32>
    %swap3A = arith.constant 0 : index
    %swap3A_24 = arith.constant 0 : index
    %swap3A_25 = vector.load %arg9[%swap3A, %swap3A_24] : memref<400x128xf32, #tpu.memory_space<vmem>>, vector<400x128xf32>
    tpu.vector_store %arg9[%swap3A, %swap3A_24], %max3A_23 {strides = array<i32>} : memref<400x128xf32, #tpu.memory_space<vmem>>, vector<400x128xf32>,
    %get3A_26 = arith.constant 0 : index
    %get3A_27 = arith.constant 0 : index
    %get3A_28 = vector.load %arg7[%get3A_26, %get3A_27] : memref<128x40xf32, #tpu.memory_space<vmem>>, vector<128x40xf32>
    %dot_general3A_29 = arith.constant dense<0.000000e+00> : vector<400x40xf32>
    %dot_general3A_30 = tpu.matmul %max3A_23, %get3A_28, %dot_general3A_29 {dimension_numbers = #tpu.dot_dimension_numbers<[1], [0], [0], [1], [0, 0, 1, 1], [], []>, transpose_lhs_hint = false} : vector<400x128xf32>, vector<128x40xf32>, vector<400x40xf32> -> vector<400x40xf32>
    %get3A_31 = arith.constant 0 : index
    %get3A_32 = arith.constant 0 : index
    %get3A_33 = vector.load %arg8[%get3A_31, %get3A_32] : memref<1x40xf32, #tpu.memory_space<vmem>>, vector<1x40xf32>
    %add3A_34 = vector.broadcast %get3A_33 : vector<1x40xf32> to vector<400x40xf32>
    %add3A_35 = arith.addf %dot_general3A_30, %add3A_34 : vector<400x40xf32>
    %swap3A_36 = arith.constant 0 : index
    %swap3A_37 = arith.constant 0 : index
    %swap3A_38 = vector.load %arg10[%swap3A_36, %swap3A_37] : memref<400x40xf32, #tpu.memory_space<vmem>>, vector<400x40xf32>
    tpu.vector_store %arg10[%swap3A_36, %swap3A_37], %add3A_35 {strides = array<i32>} : memref<400x40xf32, #tpu.memory_space<vmem>>, vector<400x40xf32>,
    return
  }
  func.func @transform_0(%arg0: i32) -> (i32, i32) {
    %c0_i32 = arith.constant 0 : i32
    %c0_i32_0 = arith.constant 0 : i32
    return %arg0, %c0_i32 : i32, i32
  }
  func.func @transform_1(%arg0: i32) -> (i32, i32) {
    %c0_i32 = arith.constant 0 : i32
    %c0_i32_0 = arith.constant 0 : i32
    return %arg0, %c0_i32 : i32, i32
  }
  func.func @transform_2(%arg0: i32) -> (i32, i32) {
    %c0_i32 = arith.constant 0 : i32
    %c0_i32_0 = arith.constant 0 : i32
    return %arg0, %c0_i32 : i32, i32
  }
  func.func @transform_3(%arg0: i32) -> (i32, i32) {
    %c0_i32 = arith.constant 0 : i32
    %c0_i32_0 = arith.constant 0 : i32
    return %arg0, %c0_i32 : i32, i32
  }
  func.func @transform_4(%arg0: i32) -> (i32, i32) {
    %c0_i32 = arith.constant 0 : i32
    %c0_i32_0 = arith.constant 0 : i32
    %c0_i32_1 = arith.constant 0 : i32
    return %c0_i32, %c0_i32_0 : i32, i32
  }
  func.func @transform_5(%arg0: i32) -> (i32, i32) {
    %c0_i32 = arith.constant 0 : i32
    %c0_i32_0 = arith.constant 0 : i32
    %c0_i32_1 = arith.constant 0 : i32
    return %c0_i32, %c0_i32_0 : i32, i32
  }
  func.func @transform_6(%arg0: i32) -> (i32, i32) {
    %c0_i32 = arith.constant 0 : i32
    %c0_i32_0 = arith.constant 0 : i32
    %c0_i32_1 = arith.constant 0 : i32
    return %c0_i32, %c0_i32_0 : i32, i32
  }
  func.func @transform_7(%arg0: i32) -> (i32, i32) {
    %c0_i32 = arith.constant 0 : i32
    %c0_i32_0 = arith.constant 0 : i32
    %c0_i32_1 = arith.constant 0 : i32
    return %c0_i32, %c0_i32_0 : i32, i32
  }
  func.func @transform_8(%arg0: i32) -> (i32, i32) {
    %c0_i32 = arith.constant 0 : i32
    %c0_i32_0 = arith.constant 0 : i32
    return %arg0, %c0_i32 : i32, i32
  }
  func.func @transform_9(%arg0: i32) -> (i32, i32) {
    %c0_i32 = arith.constant 0 : i32
    %c0_i32_0 = arith.constant 0 : i32
    return %arg0, %c0_i32 : i32, i32
  }
}

module attributes {stable_mosaic.version = 14 : i64} {
  func.func @body(%arg0: i32, %arg1: memref<400x40xf32, #tpu.memory_space<vmem>>, %arg2: memref<400x128xf32, #tpu.memory_space<vmem>>, %arg3: memref<400x128xf32, #tpu.memory_space<vmem>>, %arg4: memref<400x1xf32, #tpu.memory_space<vmem>>, %arg5: memref<128x40xf32, #tpu.memory_space<vmem>>, %arg6: memref<400x40xf32, #tpu.memory_space<vmem>>) attributes {dimension_semantics = [#tpu.dimension_semantics<arbitrary>], iteration_bounds = array<i64: 25>, scalar_prefetch = 0 : i64, scratch_operands = 0 : i64, tpu.core_type = #tpu.core_type<tc>, window_params = [{transform_indices = @transform_0, window_bounds = array<i64: 400, 40>}, {transform_indices = @transform_1, window_bounds = array<i64: 400, 128>}, {transform_indices = @transform_2, window_bounds = array<i64: 400, 128>}, {transform_indices = @transform_3, window_bounds = array<i64: 400, 1>}, {pipeline_mode = #tpu.pipeline_mode<synchronous>, transform_indices = @transform_4, window_bounds = array<i64: 128, 40>}, {transform_indices = @transform_5, window_bounds = array<i64: 400, 40>}]} {
    %get3A = arith.constant 0 : index
    %get3A_0 = arith.constant 0 : index
    %get3A_1 = vector.load %arg2[%get3A, %get3A_0] : memref<400x128xf32, #tpu.memory_space<vmem>>, vector<400x128xf32>
    %get3A_2 = arith.constant 0 : index
    %get3A_3 = arith.constant 0 : index
    %get3A_4 = vector.load %arg3[%get3A_2, %get3A_3] : memref<400x128xf32, #tpu.memory_space<vmem>>, vector<400x128xf32>
    %add3A = arith.addf %get3A_1, %get3A_4 : vector<400x128xf32>
    %get3A_5 = arith.constant 0 : index
    %get3A_6 = arith.constant 0 : index
    %get3A_7 = vector.load %arg4[%get3A_5, %get3A_6] : memref<400x1xf32, #tpu.memory_space<vmem>>, vector<400x1xf32>
    %get3A_8 = arith.constant 0 : index
    %get3A_9 = arith.constant 0 : index
    %get3A_10 = vector.load %arg1[%get3A_8, %get3A_9] : memref<400x40xf32, #tpu.memory_space<vmem>>, vector<400x40xf32>
    %div3A = vector.broadcast %get3A_7 : vector<400x1xf32> to vector<400x128xf32>
    %div3A_11 = arith.divf %add3A, %div3A : vector<400x128xf32>
    %get3A_12 = arith.constant 0 : index
    %get3A_13 = arith.constant 0 : index
    %get3A_14 = vector.load %arg5[%get3A_12, %get3A_13] : memref<128x40xf32, #tpu.memory_space<vmem>>, vector<128x40xf32>
    %dot_general3A = arith.constant dense<0.000000e+00> : vector<400x40xf32>
    %dot_general3A_15 = tpu.matmul %div3A_11, %get3A_14, %dot_general3A {dimension_numbers = #tpu.dot_dimension_numbers<[1], [0], [0], [1], [0, 0, 1, 1], [], []>, transpose_lhs_hint = false} : vector<400x128xf32>, vector<128x40xf32>, vector<400x40xf32> -> vector<400x40xf32>
    %add3A_16 = arith.addf %get3A_10, %dot_general3A_15 : vector<400x40xf32>
    %swap3A = arith.constant 0 : index
    %swap3A_17 = arith.constant 0 : index
    %swap3A_18 = vector.load %arg6[%swap3A, %swap3A_17] : memref<400x40xf32, #tpu.memory_space<vmem>>, vector<400x40xf32>
    tpu.vector_store %arg6[%swap3A, %swap3A_17], %add3A_16 {strides = array<i32>} : memref<400x40xf32, #tpu.memory_space<vmem>>, vector<400x40xf32>,
    return
  }
  func.func @transform_0(%arg0: i32) -> (i32, i32) {
    %c0_i32 = arith.constant 0 : i32
    %c0_i32_0 = arith.constant 0 : i32
    return %arg0, %c0_i32 : i32, i32
  }
  func.func @transform_1(%arg0: i32) -> (i32, i32) {
    %c0_i32 = arith.constant 0 : i32
    %c0_i32_0 = arith.constant 0 : i32
    return %arg0, %c0_i32 : i32, i32
  }
  func.func @transform_2(%arg0: i32) -> (i32, i32) {
    %c0_i32 = arith.constant 0 : i32
    %c0_i32_0 = arith.constant 0 : i32
    return %arg0, %c0_i32 : i32, i32
  }
  func.func @transform_3(%arg0: i32) -> (i32, i32) {
    %c0_i32 = arith.constant 0 : i32
    %c0_i32_0 = arith.constant 0 : i32
    return %arg0, %c0_i32 : i32, i32
  }
  func.func @transform_4(%arg0: i32) -> (i32, i32) {
    %c0_i32 = arith.constant 0 : i32
    %c0_i32_0 = arith.constant 0 : i32
    %c0_i32_1 = arith.constant 0 : i32
    return %c0_i32, %c0_i32_0 : i32, i32
  }
  func.func @transform_5(%arg0: i32) -> (i32, i32) {
    %c0_i32 = arith.constant 0 : i32
    %c0_i32_0 = arith.constant 0 : i32
    return %arg0, %c0_i32 : i32, i32
  }
}

</mosaic_0001>

<sc_bundles>
// kernel: kernel.12.cloned.1.call-start
scs
__scs_entry_jumppad:
0x0: {  	(pc) =	sbr.rel $0x88, $3  }
0x1: {  	(tag) =	ssettag $0x0;
	lr =	simm.s32 $0x1  }
0x2: {  	[smem:$0x3F98] =	sst lr;
	_ =	strace $0xD0000000  }
0x3: {  	_ = 	snop  }
0x4: {  	_ = 	snop  }
0x5: {  	_ = 	snop  }
0x6: {  	_ = 	snop  }
0x7: {  	_ = 	snop  }
__scs_overlays_trampoline_lowered:
0x8: {  	[smem:$0x3FA7] =	sst s0  }
0x9: {  	[smem:$0x3FA8] =	sst s1  }
0xa: {  	[smem:$0x3FA9] =	sst s2  }
0xb: {  	[smem:$0x3FAA] =	sst s3  }
0xc: {  	[smem:$0x3FAB] =	sst s4  }
0xd: {  	[smem:$0x3FAC] =	sst s5  }
0xe: {  	[smem:$0x3FAD] =	sst s6  }
0xf: {  	[smem:$0x3FAE] =	sst s7  }
0x10: {  	[smem:$0x3FAF] =	sst s8  }
0x11: {  	[smem:$0x3FB0] =	sst s9;
	s0 =	simm.s32 @!p0 $0x0  }
0x12: {  	s1 =	sld [smem:$0x3F96];
	s0 =	simm.s32 @p0 $0x1  }
0x13: {  	[smem:$0x3FB1] =	sst s0;
	s0 =	simm.s32 @!p1 $0x0  }
0x14: {  	s2 =	sld [smem:$0x3F95];
	s0 =	simm.s32 @p1 $0x1  }
0x15: {  	[smem:$0x3FB2] =	sst s0;
	s0 =	simm.s32 @!p2 $0x0  }
0x16: {  	s3 =	sld [smem:$0x3FDB];
	s0 =	simm.s32 @p2 $0x1  }
0x17: {  	s4 =	simm.s32 $0x1BF5;
	[smem:$0x3FB4] =	sst s0  }
0x18: {  	s0 =	sld [smem:$0x3F97];
	_ =	swait.ge [sflag:s4], $0x0  }
0x19: {  	s7 =	sld [smem:$0x3F98]  }
0x1a: {  	s8 =	sadd.s32 $0xFFFFE003, lr  }
0x1b: {  	s9 =	sadd.s32 $0xFFFFFEF7, lr;
	s5 =	simm.s32 $0xFFFFFFFF;
	p2 =	slt.u32 s8, $0xFFFFF086  }
0x1c: {  	p1 =	slt.u32 s9, $0xF7A;
	s5 =	simm.s32 @!p2 $0x0  }
0x1d: {  	s5 =	simm.s32 @p1 $0x1;
	p0 =	seq.s32 s7, s2  }
0x1e: {  	s7 =	smul.u32 @!p0 $0xF7A, s2;
	p2 =	seq.s32 @!p0 s5, $0x0  }
0x1f: {  	s9 =	smul.u32 $0xF7A, s1;
	s8 =	simm.s32 @!p0 $0x1BF5;
	p2 =	por !p2, p0  }
0x20: {  	[sflag:s8] =	ssyncset.s32 @!p0 $0xFFFFF086;
	s6 =	sadd.s32 @!p0 s3, s7;
	s7 =	simm.s32 @!p0 $0x108  }
0x21: {  	s3 =	sadd.s32 s3, s9;
	s6 =	sadd.s32 @!p0 $0x88, s6;
	s7 =	simm.s32 @p2 $0x1082  }
0x22: {  	[simem:s7], [sflag:s8] =	dma.local @!p0 [hbm:s6], $0xF7A  }
0x23: {  	s9 =	sor.u32 $0xD0000000, s2;
	s6 =	simm.s32 $0x108;
	_ =	swait.ge @!p0 [sflag:s8], $0x0  }
0x24: {  	s3 =	sadd.s32 $0x88, s3;
	s6 =	simm.s32 @!p1 $0x1082;
	[sflag:s4] =	ssyncset.s32 $0xFFFFF086  }
0x25: {  	[simem:s6], [sflag:s4] =	dma.local [hbm:s3], $0xF7A  }
0x26: {  	[smem:$0x3F98] =	sst s1;
	(tag) =	ssettag s2;
	_ =	strace s9  }
0x27: {  	s1 =	sld [smem:$0x3FA8]  }
0x28: {  	s2 =	sld [smem:$0x3FA9]  }
0x29: {  	s4 =	sld [smem:$0x3FAB]  }
0x2a: {  	p0 =	seq.s32 s5, $0x0;
	s5 =	sld [smem:$0x3FAC]  }
0x2b: {  	s6 =	sld [smem:$0x3FAD]  }
0x2c: {  	s7 =	sld [smem:$0x3FAE]  }
0x2d: {  	s3 =	simm.s32 $0x108;
	s8 =	sld [smem:$0x3FAF]  }
0x2e: {  	s3 =	simm.s32 @!p0 $0x1082;
	s9 =	sld [smem:$0x3FB0]  }
0x2f: {  	lr =	sadd.s32 s0, s3;
	s0 =	sld [smem:$0x3FA7]  }
0x30: {  	s3 =	sld [smem:$0x3FAA]  }
0x31: {  	[smem:$0x3FB3] =	sst s10  }
0x32: {  	s10 =	sld [smem:$0x3FB1];
	_ =	sdelay $0x3  }
0x33: {  	p0 =	seq.s32 s10, $0x1;
	s10 =	sld [smem:$0x3FB3];
	_ =	sdelay $0x3  }
0x34: {  	[smem:$0x3FB3] =	sst s10  }
0x35: {  	s10 =	sld [smem:$0x3FB2];
	_ =	sdelay $0x3  }
0x36: {  	p1 =	seq.s32 s10, $0x1;
	s10 =	sld [smem:$0x3FB3];
	_ =	sdelay $0x3  }
0x37: {  	[smem:$0x3FB3] =	sst s10  }
0x38: {  	s10 =	sld [smem:$0x3FB4]  }
0x39: {  	_ = 	snop;
	(pc) =	sbr.ind lr, $3  }
0x3a: {  	_ = 	snop  }
0x3b: {  	_ = 	snop  }
0x3c: {  	p2 =	seq.s32 s10, $0x1;
	s10 =	sld [smem:$0x3FB3]  }
0x3d: {  	_ =	shalt  }
0x3e: {  	_ =	shalt  }
0x3f: {  	_ =	shalt  }
0x40: {  	_ =	shalt  }
0x41: {  	_ =	shalt  }
0x42: {  	_ =	shalt  }
0x43: {  	_ =	shalt  }
0x44: {  	_ =	shalt  }
0x45: {  	_ =	shalt  }
0x46: {  	_ =	shalt  }
0x47: {  	_ =	shalt  }
0x48: {  	_ =	shalt  }
0x49: {  	_ =	shalt  }
0x4a: {  	_ =	shalt  }
0x4b: {  	_ =	shalt  }
0x4c: {  	_ =	shalt  }
0x4d: {  	_ =	shalt  }
0x4e: {  	_ =	shalt  }
0x4f: {  	_ =	shalt  }
0x50: {  	_ =	shalt  }
0x51: {  	_ =	shalt  }
0x52: {  	_ =	shalt  }
0x53: {  	_ =	shalt  }
0x54: {  	_ =	shalt  }
0x55: {  	_ =	shalt  }
0x56: {  	_ =	shalt  }
0x57: {  	_ =	shalt  }
0x58: {  	_ =	shalt  }
0x59: {  	_ =	shalt  }
0x5a: {  	_ =	shalt  }
0x5b: {  	_ =	shalt  }
0x5c: {  	_ =	shalt  }
0x5d: {  	_ =	shalt  }
0x5e: {  	_ =	shalt  }
0x5f: {  	_ =	shalt  }
0x60: {  	_ =	shalt  }
0x61: {  	_ =	shalt  }
0x62: {  	_ =	shalt  }
0x63: {  	_ =	shalt  }
0x64: {  	_ =	shalt  }
0x65: {  	_ =	shalt  }
0x66: {  	_ =	shalt  }
0x67: {  	_ =	shalt  }
0x68: {  	_ =	shalt  }
0x69: {  	_ =	shalt  }
0x6a: {  	_ =	shalt  }
0x6b: {  	_ =	shalt  }
0x6c: {  	_ =	shalt  }
0x6d: {  	_ =	shalt  }
0x6e: {  	_ =	shalt  }
0x6f: {  	_ =	shalt  }
0x70: {  	_ =	shalt  }
0x71: {  	_ =	shalt  }
0x72: {  	_ =	shalt  }
0x73: {  	_ =	shalt  }
0x74: {  	_ =	shalt  }
0x75: {  	_ =	shalt  }
0x76: {  	_ =	shalt  }
0x77: {  	_ =	shalt  }
0x78: {  	_ =	shalt  }
0x79: {  	_ =	shalt  }
0x7a: {  	_ =	shalt  }
0x7b: {  	_ =	shalt  }
0x7c: {  	_ =	shalt  }
0x7d: {  	_ =	shalt  }
0x7e: {  	_ =	shalt  }
0x7f: {  	_ =	shalt  }
0x80: {  	_ =	shalt  }
0x81: {  	_ =	shalt  }
0x82: {  	_ =	shalt  }
0x83: {  	_ =	shalt  }
0x84: {  	_ =	shalt  }
0x85: {  	_ =	shalt  }
0x86: {  	_ =	shalt  }
0x87: {  	_ =	shalt  }
.Lfunc_end0:
.L_simem_size_0:
called_computation.1_lowered:
.L_overlay_start_0:
0x88: {  	s2 =	sld [smem:$0x3FD9]  }
0x89: {  	s3 =	sld [smem:$0x3FFE];
	_ =	sdelay $0x1  }
0x8a: {  	s1 =	srdreg.scid  }
0x8b: {  	s0 =	sand.u32 $0x1, s1  }
0x8c: {  	s17 =	sshll.u32 s0, $0xA;
	s2 =	sadd.s32 s3, s2  }
0x8d: {  	s2 =	sadd.s32 s2, s17  }
0x8e: {  	[smem:$0x3FBF] =	sst s2  }
0x8f: {  	_ = 	snop  }
0x90: {  	(tm) =	ssettm $0x1  }
0x91: {  	s18 =	sld [smem:$0x3FFB];
	_ =	sdelay $0x3  }
0x92: {  	_ =	strace s18  }
0x93: {  	s2 =	sld [smem:$0x3FFC];
	_ =	sdelay $0x3  }
0x94: {  	_ =	strace s2  }
0x95: {  	s2 =	sld [smem:$0x3FFD];
	_ =	sdelay $0x3  }
0x96: {  	_ =	strace s2  }
0x97: {  	_ =	strace $0x8FFFFFFF  }
0x98: {  	s19 =	sld [smem:$0x3FDB];
	_ =	sdelay $0x1  }
0x99: {  	s20 =	simm.s32 $_scs_section_size  }
0x9a: {  	s4 =	simm.s32 $_size__tile_overlayer_lowered;
	s5 =	simm.s32 $_tile_overlayer_lowered  }
0x9b: {  	s6 =	simm.s32 $0x1BFF;
	s21 =	sshll.u32 s5, $0x1;
	s3 =	sadd.s32 s20, s19  }
0x9c: {  	s22 =	simm.s32 $0x0;
	s4 =	sshll.u32 s4, $0x1;
	s5 =	sadd.s32 s21, s3  }
0x9d: {  	[timem:s22], [sflag:s6] =	dma.local [hbm:s5], s4  }
0x9e: {  	_ =	swait.ge [sflag:s6], s4  }
0x9f: {  	s4 =	ssub.s32 $0x0, s4;
	[sflag:s6] =	ssyncset.done $0x0  }
0xa0: {  	[sflag:s6] =	ssyncadd.s32 s4;
	_ =	sdelay $0x1  }
0xa1: {  	s23 =	simm.s32 $0x1B8B  }
0xa2: {  	_ =	swait.ge [sflag:s23], $0x1  }
0xa3: {  	[sflag:s23] =	ssyncset.done $0x0  }
0xa4: {  	[sflag:s23] =	ssyncadd.s32 $0xFFFFFFFF  }
0xa5: {  	s4 =	sld [smem:$0x0]  }
0xa6: {  	s5 =	sand.u32 $0xFFFFFFFE, s1  }
0xa7: {  	p0 =	sne.s32 s1, s5  }
0xa8: {  	s5 =	sshll.u32 @p0 s5, $0xE  }
0xa9: {  	s5 =	sadd.s32 @p0 $0x11B8D, s5;
	s6 =	sshll.u32 @p0 s4, $0x11  }
0xaa: {  	s5 =	sor.u32 @p0 s6, s5  }
0xab: {  	[sflag:s5] =	ssyncadd.remote.s32 @p0 $0x1;
	_ =	sdelay $0x1  }
0xac: {  	s5 =	simm.s32 @p0 $0x1B8D  }
0xad: {  	_ =	swait.eq @p0 [sflag:s5], $0x1  }
0xae: {  	[sflag:s5] =	ssyncadd.s32 @p0 $0xFFFFFFFF  }
0xaf: {  	s6 =	sshll.u32 @!p0 s1, $0xE  }
0xb0: {  	s6 =	sor.u32 @!p0 $0x4000, s6;
	s5 =	simm.s32 @!p0 $0x1B8D  }
0xb1: {  	s4 =	sshll.u32 @!p0 s4, $0x11;
	s6 =	sadd.s32 @!p0 $0x11B8D, s6;
	_ =	swait.eq @!p0 [sflag:s5], $0x1  }
0xb2: {  	s4 =	sor.u32 @!p0 s4, s6;
	[sflag:s5] =	ssyncadd.s32 @!p0 $0xFFFFFFFF  }
0xb3: {  	s25 =	simm.s32 $0x1B8E;
	s24 =	sld [smem:$0x3FFE];
	[sflag:s4] =	ssyncadd.remote.s32 @!p0 $0x1  }
0xb4: {  	s26 =	simm.s32 $execute0_lowered;
	[smem:$0x3FD2] =	sst s25  }
0xb5: {  	s5 =	sshll.u32 s26, $0x1;
	_ =	strace $0x80000049;
	[dreg:$0x1] =	wrdreg $0xFFFFFFFF  }
0xb6: {  	s28 =	simm.s32 $_size_execute0_lowered;
	s3 =	sadd.s32 s3, s5;
	[dreg:$0x0] =	wrdreg $0x0  }
0xb7: {  	s5 =	sshll.u32 s28, $0x1;
	[dreg:$0x2] =	wrdreg s3  }
0xb8: {  	[dreg:$0x3] =	wrdreg s5  }
0xb9: {  	[dreg:$0x4] =	wrdreg $0xC0  }
0xba: {  	_ =	task [dreg:s22], $0x5FFFF  }
0xbb: {  	[dreg:$0x1] =	wrdreg $0xFFFFFFFF  }
0xbc: {  	[dreg:$0x0] =	wrdreg $0x60  }
0xbd: {  	[dreg:$0x2] =	wrdreg s24  }
0xbe: {  	[dreg:$0x3] =	wrdreg $0xA9000  }
0xbf: {  	[dreg:$0x4] =	wrdreg $0xA  }
0xc0: {  	_ =	task.clear_ibuf [dreg:s22], $0x5FFFF;
	_ =	strace $0x90000049  }
0xc1: {  	s29 =	simm.s32 $0xA;
	_ =	strace $0x8000004B  }
0xc2: {  	_ =	swait.ge [sflag:s29], $0x1  }
0xc3: {  	[sflag:s29] =	ssyncadd.s32 $0xFFFFFFFF  }
0xc4: {  	_ =	strace $0x9000004B  }
0xc5: {  	_ =	sfence  }
0xc6: {  	s30 =	sld [smem:$0x0];
	_ =	sdelay $0x2  }
0xc7: {  	s31 =	sshll.u32 s1, $0xD;
	s1 =	sshrl.u32 s1, $0x2  }
0xc8: {  	s4 =	sand.u32 $0x4000, s31;
	s1 =	sadd.s32 s1, s30  }
0xc9: {  	s0 =	sor.u32 s4, s0;
	s1 =	sshll.u32 s1, $0x11  }
0xca: {  	s0 =	sor.u32 s1, s0  }
0xcb: {  	s0 =	sadd.s32 $0x8F2B, s0  }
0xcc: {  	[sflag:s0] =	ssyncadd.remote.s32 $0x1  }
0xcd: {  	_ =	sfence.sel $0xFFFF  }
0xce: {  	[dreg:$0x0] =	wrdreg $0xFFFFFFFF;
	(pc) =	sbr.abs _section_cstart, $3  }
0xcf: {  	[dreg:$0x1] =	wrdreg $0xFFFFFFFF  }
0xd0: {  	_ =	task.clear_ibuf [dreg:s22], $0x2FFFF;
	_ =	strace $0x9FFFFFFF  }
0xd1: {  	(tm) =	ssettm $0x7FFFFFFF  }
tec
execute0_lowered:
.L_overlay_start_1:
0x0: {  	(tag) =	ssettag $0x1  }
0x1: {  	s0 =	rddreg [dreg:$0x0];
	s1 =	srdreg.scid  }
0x2: {  	s20 =	stileid.u32;
	s2 =	rddreg [dreg:$0x1]  }
0x3: {  	s3 =	simm.s32 $0x0;
	s28 =	simm.s32 $0x1;
	s29 =	simm.s32 $0x3  }
0x4: {  	s30 =	simm.s32 $0x6900;
	s31 =	simm.s32 $0x2;
	s1 =	sand.u32 $0x1, s1  }
0x5: {  	s4 =	sshll.u32 s20, $0x1;
	[smem:$0x7FF] =	sst s3;
	s9 =	smul.u32 $0x50000, s20  }
0x6: {  	s5 =	sadd.s32 $0x52000, s0;
	s10 =	sadd.s32 $0x5C000, s0;
	s13 =	smul.u32 $0x14000, s20  }
0x7: {  	s4 =	sor.u32 s1, s4;
	_ =	strace $0x8000004A;
	s16 =	smul.u32 $0x140000, s1  }
0x8: {  	s8 =	ssub.s32 $0x2, s1;
	[dreg:$0x3] =	wrdreg s10;
	s1 =	smul.u32 $0x500, s1  }
0x9: {  	s6 =	smul.u32 $0x500, s4;
	s4 =	sadd.s32 $0x2AE00, s0;
	s23 =	sshrl.u32 s8, $0x1  }
0xa: {  	s24 =	sshrl.u32 s9, $0x2;
	s25 =	sadd.s32 $0x4000, s13;
	s15 =	sadd.s32 $0x8000, s13  }
0xb: {  	s17 =	sadd.s32 $0xC000, s13;
	s18 =	sadd.s32 $0x10000, s13;
	s14 =	ssub.s32 s8, s23  }
0xc: {  	s8 =	sadd.s32 s24, s2;
	s9 =	sadd.s32 s25, s2;
	s10 =	sadd.s32 s15, s2  }
0xd: {  	s11 =	sadd.s32 s17, s2;
	s12 =	sadd.s32 s18, s2;
	s19 =	sadd.s32 s13, s16  }
0xe: {  	s22 =	sadd.s32 s16, s15;
	s24 =	smul.u32 $0xA00, s20;
	s17 =	sadd.s32 s16, s17  }
0xf: {  	s18 =	sadd.s32 s16, s18;
	s7 =	sadd.s32 s6, s0;
	s0 =	sadd.s32 $0x5C800, s0  }
0x10: {  	s26 =	sadd.s32 s5, s6;
	s19 =	sshrl.u32 s19, $0x3;
	s23 =	sshrl.u32 s22, $0x3  }
0x11: {  	s18 =	sshrl.u32 s18, $0x3;
	s20 =	smax.u32 s14, $0x1;
	s7 =	sadd.s32 $0x2E00, s7  }
0x12: {  	s6 =	sadd.s32 s0, s19;
	s18 =	sadd.s32 s0, s18;
	s19 =	sadd.s32 s1, s24  }
0x13: {  	s24 =	simm.s32 $0x4;
	[dreg:$0x4] =	wrdreg s7;
	s7 =	sadd.s32 s16, s25  }
0x14: {  	[dreg:$0x5] =	wrdreg s6;
	s25 =	sshrl.u32 s17, $0x3;
	s16 =	smov.u32 s26  }
0x15: {  	s21 =	sshrl.u32 s7, $0x3;
	s17 =	sadd.s32 s0, s25;
	s25 =	simm.s32 $0x2900  }
0x16: {  	s6 =	sadd.s32 s0, s21;
	s21 =	sadd.s32 $0x4F0, s26;
	s26 =	sadd.s32 s5, s19  }
0x17: {  	[dreg:$0x6] =	wrdreg s6;
	s6 =	sadd.s32 s0, s23;
	s22 =	sadd.s32 $0x20, s26  }
0x18: {  	s26 =	simm.s32 $0x80;
	s23 =	simm.s32 $0x0;
	[dreg:$0x7] =	wrdreg s6  }
.LBB2_1:
0x19: {  	s0 =	rddreg [dreg:$0x4];
	s1 =	simm.s32 $0x100  }
0x1a: {  	[tilespmem:s1], [sflag:$0x4] =	stream.linear.gather [hbm4b:s0+s3], $0x2800, $0x38;
	[tilespmem:$0x1E900] =	vst v63  }
0x1b: {  	_ =	swait.ge [sflag:s24], $0x2800  }
0x1c: {  	[sflag:s24] =	ssyncset.done $0x0  }
0x1d: {  	s1 =	rddreg [dreg:$0x3];
	[sflag:s24] =	ssyncadd.s32 $0xFFFFD800  }
0x1e: {  	[tilespmem:s25], [sflag:$0x4] =	stream.linear.gather [hbm4b:s1+s3], $0x4000, $0x38;
	[tilespmem:$0x1E900] =	vst v63  }
0x1f: {  	_ =	swait.ge [sflag:s24], $0x4000  }
0x20: {  	[sflag:s24] =	ssyncset.done $0x0  }
0x21: {  	[sflag:s24] =	ssyncadd.s32 $0xFFFFC000  }
0x22: {  	[spmem:s8] =	stream.linear.scatter [tilespmem:s25], [sflag:$0x4], $0x4000, $0x38;
	[tilespmem:$0x1E900] =	vst v63  }
0x23: {  	_ =	swait.ge [sflag:s24], $0x4000  }
0x24: {  	[sflag:s24] =	ssyncset.done $0x0  }
0x25: {  	[sflag:s24] =	ssyncadd.s32 $0xFFFFC000  }
0x26: {  	[spmem:s9] =	stream.linear.scatter [tilespmem:s25], [sflag:$0x4], $0x4000, $0x38;
	[tilespmem:$0x1E900] =	vst v63  }
0x27: {  	_ =	swait.ge [sflag:s24], $0x4000  }
0x28: {  	[sflag:s24] =	ssyncset.done $0x0  }
0x29: {  	[sflag:s24] =	ssyncadd.s32 $0xFFFFC000  }
0x2a: {  	[spmem:s10] =	stream.linear.scatter [tilespmem:s25], [sflag:$0x4], $0x4000, $0x38;
	[tilespmem:$0x1E900] =	vst v63  }
0x2b: {  	_ =	swait.ge [sflag:s24], $0x4000  }
0x2c: {  	[sflag:s24] =	ssyncset.done $0x0  }
0x2d: {  	[sflag:s24] =	ssyncadd.s32 $0xFFFFC000  }
0x2e: {  	[spmem:s11] =	stream.linear.scatter [tilespmem:s25], [sflag:$0x4], $0x4000, $0x38;
	[tilespmem:$0x1E900] =	vst v63  }
0x2f: {  	_ =	swait.ge [sflag:s24], $0x4000  }
0x30: {  	[sflag:s24] =	ssyncset.done $0x0  }
0x31: {  	[sflag:s24] =	ssyncadd.s32 $0xFFFFC000  }
0x32: {  	[spmem:s12] =	stream.linear.scatter [tilespmem:s25], [sflag:$0x4], $0x4000, $0x38;
	[tilespmem:$0x1E900] =	vst v63  }
0x33: {  	_ =	swait.ge [sflag:s24], $0x4000  }
0x34: {  	[sflag:s24] =	ssyncset.done $0x0  }
0x35: {  	[sflag:s24] =	ssyncadd.s32 $0xFFFFC000  }
0x36: {  	[bflag:$0x0] =	sbarrier.arrive $0xFFFF  }
0x37: {  	[tilespmem:s3], [sflag:$0x4] =	stream.linear.gather [hbm4b:s16+s3], $0x80, $0x38;
	[tilespmem:$0x1E900] =	vst v63  }
0x38: {  	s6 =	sadd.s32 $0x0, s19;
	s7 =	sand.u32 $0x60, s3;
	_ =	swait.ge [sflag:s24], $0x80  }
0x39: {  	s0 =	sand.u32 $0xFFFFF80, s6;
	s1 =	sadd.s32 s7, s5;
	[sflag:s24] =	ssyncset.done $0x0  }
0x3a: {  	s0 =	sadd.s32 s0, s1;
	[sflag:s24] =	ssyncadd.s32 $0xFFFFFF80  }
0x3b: {  	[tilespmem:s25], [sflag:$0x1] =	stream.indirect.gather [hbm4b:s4+s26], $0x80, s3, s26, $0xb8;
	[tilespmem:$0x1E900] =	vst v63  }
0x3c: {  	s0 =	sadd.s32 $0x10, s0  }
0x3d: {  	[tilespmem:s26], [sflag:$0x3] =	stream.linear.gather [hbm4b:s0+s3], $0x80, $0x38;
	[tilespmem:$0x1E900] =	vst v63  }
0x3e: {  	_ =	swait.ge [sflag:s28], $0x4000  }
0x3f: {  	[sflag:s28] =	ssyncset.done $0x0  }
0x40: {  	[sflag:s28] =	ssyncadd.s32 $0xFFFFC000  }
0x41: {  	_ =	swait.ge [sflag:s29], $0x80  }
0x42: {  	[sflag:s29] =	ssyncset.done $0x0  }
0x43: {  	[sflag:s29] =	ssyncadd.s32 $0xFFFFFF80  }
0x44: {  	[tilespmem:s30], [sflag:$0x2] =	stream.indirect.gather [hbm4b:s4+s26], $0x80, s26, s26, $0xb8;
	[tilespmem:$0x1E900] =	vst v63  }
0x45: {  	s13 =	simm.s32 $0x100  }
0x46: {  	[spmem:s2] =	stream.indirect.scatter.add.f32 [tilespmem:s25], [sflag:$0x4], $0x80, s13, s26, $0xb8;
	[tilespmem:$0x1E900] =	vst v63  }
0x47: {  	_ =	swait.ge [sflag:s24], $0x4000  }
0x48: {  	[sflag:s24] =	ssyncset.done $0x0  }
0x49: {  	s14 =	sadd.s32 $0x0, s22;
	[sflag:s24] =	ssyncadd.s32 $0xFFFFC000  }
0x4a: {  	[tilespmem:s3], [sflag:$0x3] =	stream.linear.gather [hbm4b:s14+s3], $0x80, $0x38;
	[tilespmem:$0x1E900] =	vst v63  }
0x4b: {  	_ =	swait.ge [sflag:s31], $0x4000  }
0x4c: {  	[sflag:s31] =	ssyncset.done $0x0  }
0x4d: {  	[sflag:s31] =	ssyncadd.s32 $0xFFFFC000  }
0x4e: {  	_ =	swait.ge [sflag:s29], $0x80  }
0x4f: {  	[sflag:s29] =	ssyncset.done $0x0  }
0x50: {  	s15 =	sadd.s32 $0x20, s19;
	[sflag:s29] =	ssyncadd.s32 $0xFFFFFF80  }
0x51: {  	[tilespmem:s25], [sflag:$0x1] =	stream.indirect.gather [hbm4b:s4+s26], $0x80, s3, s26, $0xb8;
	[tilespmem:$0x1E900] =	vst v63  }
0x52: {  	s6 =	simm.s32 $0x40;
	s7 =	simm.s32 $0x180;
	s0 =	simm.s32 $0x20  }
0x53: {  	[spmem:s2] =	stream.indirect.scatter.add.f32 [tilespmem:s30], [sflag:$0x4], $0x80, s7, s26, $0xb8;
	[tilespmem:$0x1E900] =	vst v63  }
0x54: {  	s1 =	simm.s32 $0x280;
	s14 =	sand.u32 $0x60, s0;
	_ =	swait.ge [sflag:s24], $0x4000  }
0x55: {  	s14 =	sadd.s32 s14, s5;
	s7 =	sand.u32 $0xFFFFF80, s15;
	[sflag:s24] =	ssyncset.done $0x0  }
.LBB2_2:
0x56: {  	s7 =	sadd.s32 s7, s14;
	[sflag:s24] =	ssyncadd.s32 $0xFFFFC000  }
0x57: {  	s14 =	smov.u32 s6;
	s15 =	sadd.s32 $0x20, s6;
	s13 =	smov.u32 s1  }
0x58: {  	p0 =	sne.s32 s6, $0x4C0;
	s6 =	sadd.s32 $0x10, s7  }
0x59: {  	[tilespmem:s26], [sflag:$0x3] =	stream.linear.gather [hbm4b:s6+s3], $0x80, $0x38;
	[tilespmem:$0x1E900] =	vst v63  }
0x5a: {  	_ =	swait.ge [sflag:s28], $0x4000  }
0x5b: {  	[sflag:s28] =	ssyncset.done $0x0  }
0x5c: {  	[sflag:s28] =	ssyncadd.s32 $0xFFFFC000  }
0x5d: {  	_ =	swait.ge [sflag:s29], $0x80  }
0x5e: {  	[sflag:s29] =	ssyncset.done $0x0  }
0x5f: {  	[sflag:s29] =	ssyncadd.s32 $0xFFFFFF80  }
0x60: {  	[tilespmem:s30], [sflag:$0x2] =	stream.indirect.gather [hbm4b:s4+s26], $0x80, s26, s26, $0xb8;
	[tilespmem:$0x1E900] =	vst v63  }
0x61: {  	s6 =	sadd.s32 $0xFFFFFF80, s1  }
0x62: {  	[spmem:s2] =	stream.indirect.scatter.add.f32 [tilespmem:s25], [sflag:$0x4], $0x80, s6, s26, $0xb8;
	[tilespmem:$0x1E900] =	vst v63  }
0x63: {  	_ =	swait.ge [sflag:s24], $0x4000  }
0x64: {  	[sflag:s24] =	ssyncset.done $0x0  }
0x65: {  	s6 =	sadd.s32 s0, s22;
	s0 =	smov.u32 s14;
	[sflag:s24] =	ssyncadd.s32 $0xFFFFC000  }
0x66: {  	[tilespmem:s3], [sflag:$0x3] =	stream.linear.gather [hbm4b:s6+s3], $0x80, $0x38;
	[tilespmem:$0x1E900] =	vst v63  }
0x67: {  	_ =	swait.ge [sflag:s31], $0x4000  }
0x68: {  	[sflag:s31] =	ssyncset.done $0x0  }
0x69: {  	[sflag:s31] =	ssyncadd.s32 $0xFFFFC000  }
0x6a: {  	_ =	swait.ge [sflag:s29], $0x80  }
0x6b: {  	[sflag:s29] =	ssyncset.done $0x0  }
0x6c: {  	[sflag:s29] =	ssyncadd.s32 $0xFFFFFF80  }
0x6d: {  	[tilespmem:s25], [sflag:$0x1] =	stream.indirect.gather [hbm4b:s4+s26], $0x80, s3, s26, $0xb8;
	[tilespmem:$0x1E900] =	vst v63  }
.Ltmp0:
0x6e: {  	_ = 	snop;
	(pc) =	sbr.rel @p0 .LBB2_2-.Ltmp0, $4  }
0x6f: {  	s1 =	sadd.s32 $0x100, s1;
	s6 =	sadd.s32 s0, s19  }
0x70: {  	[spmem:s2] =	stream.indirect.scatter.add.f32 [tilespmem:s30], [sflag:$0x4], $0x80, s13, s26, $0xb8;
	[tilespmem:$0x1E900] =	vst v63  }
0x71: {  	s7 =	sand.u32 $0xFFFFF80, s6;
	s13 =	sand.u32 $0x60, s0;
	_ =	swait.ge [sflag:s24], $0x4000  }
0x72: {  	s6 =	smov.u32 s15;
	s14 =	sadd.s32 s13, s5;
	[sflag:s24] =	ssyncset.done $0x0  }
0x73: {  	s6 =	sadd.s32 s7, s14  }
0x74: {  	[sflag:s24] =	ssyncadd.s32 $0xFFFFC000;
	s6 =	sadd.s32 $0x10, s6  }
0x75: {  	[tilespmem:s26], [sflag:$0x3] =	stream.linear.gather [hbm4b:s6+s3], $0x80, $0x38;
	[tilespmem:$0x1E900] =	vst v63  }
0x76: {  	_ =	swait.ge [sflag:s28], $0x4000  }
0x77: {  	[sflag:s28] =	ssyncset.done $0x0  }
0x78: {  	[sflag:s28] =	ssyncadd.s32 $0xFFFFC000  }
0x79: {  	_ =	swait.ge [sflag:s29], $0x80  }
0x7a: {  	[sflag:s29] =	ssyncset.done $0x0  }
0x7b: {  	[sflag:s29] =	ssyncadd.s32 $0xFFFFFF80  }
0x7c: {  	[tilespmem:s30], [sflag:$0x2] =	stream.indirect.gather [hbm4b:s4+s26], $0x80, s26, s26, $0xb8;
	[tilespmem:$0x1E900] =	vst v63  }
0x7d: {  	s15 =	sadd.s32 $0xFFFFFF80, s1  }
0x7e: {  	[spmem:s2] =	stream.indirect.scatter.add.f32 [tilespmem:s25], [sflag:$0x4], $0x80, s15, s26, $0xb8;
	[tilespmem:$0x1E900] =	vst v63  }
0x7f: {  	_ =	swait.ge [sflag:s24], $0x4000  }
0x80: {  	[sflag:s24] =	ssyncset.done $0x0  }
0x81: {  	s0 =	sadd.s32 s0, s22;
	[sflag:s24] =	ssyncadd.s32 $0xFFFFC000  }
0x82: {  	[tilespmem:s3], [sflag:$0x3] =	stream.linear.gather [hbm4b:s0+s3], $0x80, $0x38;
	[tilespmem:$0x1E900] =	vst v63  }
0x83: {  	_ =	swait.ge [sflag:s31], $0x4000  }
0x84: {  	[sflag:s31] =	ssyncset.done $0x0  }
0x85: {  	[sflag:s31] =	ssyncadd.s32 $0xFFFFC000  }
0x86: {  	_ =	swait.ge [sflag:s29], $0x80  }
0x87: {  	[sflag:s29] =	ssyncset.done $0x0  }
0x88: {  	[sflag:s29] =	ssyncadd.s32 $0xFFFFFF80  }
0x89: {  	[tilespmem:s25], [sflag:$0x1] =	stream.indirect.gather [hbm4b:s4+s26], $0x80, s3, s26, $0xb8;
	[tilespmem:$0x1E900] =	vst v63  }
0x8a: {  	_ = 	snop  }
0x8b: {  	[spmem:s2] =	stream.indirect.scatter.add.f32 [tilespmem:s30], [sflag:$0x4], $0x80, s1, s26, $0xb8;
	[tilespmem:$0x1E900] =	vst v63  }
0x8c: {  	_ =	swait.ge [sflag:s24], $0x4000  }
0x8d: {  	[sflag:s24] =	ssyncset.done $0x0  }
0x8e: {  	[sflag:s24] =	ssyncadd.s32 $0xFFFFC000  }
0x8f: {  	[tilespmem:s26], [sflag:$0x3] =	stream.linear.gather [hbm4b:s21+s3], $0x80, $0x38;
	[tilespmem:$0x1E900] =	vst v63  }
0x90: {  	_ =	swait.ge [sflag:s28], $0x4000  }
0x91: {  	[sflag:s28] =	ssyncset.done $0x0  }
0x92: {  	[sflag:s28] =	ssyncadd.s32 $0xFFFFC000  }
0x93: {  	_ =	swait.ge [sflag:s29], $0x80  }
0x94: {  	[sflag:s29] =	ssyncset.done $0x0  }
0x95: {  	[sflag:s29] =	ssyncadd.s32 $0xFFFFFF80  }
0x96: {  	[tilespmem:s30], [sflag:$0x2] =	stream.indirect.gather [hbm4b:s4+s26], $0x80, s26, s26, $0xb8;
	[tilespmem:$0x1E900] =	vst v63  }
0x97: {  	s6 =	simm.s32 $0x2800  }
0x98: {  	[spmem:s2] =	stream.indirect.scatter.add.f32 [tilespmem:s25], [sflag:$0x4], $0x80, s6, s26, $0xb8;
	[tilespmem:$0x1E900] =	vst v63  }
0x99: {  	_ =	swait.ge [sflag:s24], $0x4000  }
0x9a: {  	[sflag:s24] =	ssyncset.done $0x0  }
0x9b: {  	[sflag:s24] =	ssyncadd.s32 $0xFFFFC000  }
0x9c: {  	_ =	swait.ge [sflag:s31], $0x4000  }
0x9d: {  	[sflag:s31] =	ssyncset.done $0x0  }
0x9e: {  	s7 =	simm.s32 $0x2880;
	[sflag:s31] =	ssyncadd.s32 $0xFFFFC000  }
0x9f: {  	[spmem:s2] =	stream.indirect.scatter.add.f32 [tilespmem:s30], [sflag:$0x4], $0x80, s7, s26, $0xb8;
	[tilespmem:$0x1E900] =	vst v63  }
0xa0: {  	_ =	swait.ge [sflag:s24], $0x4000  }
0xa1: {  	[sflag:s24] =	ssyncset.done $0x0  }
0xa2: {  	[sflag:s24] =	ssyncadd.s32 $0xFFFFC000  }
0xa3: {  	[bflag:$0x0] =	sbarrier.arrive $0xFFFF  }
0xa4: {  	[tilespmem:s25], [sflag:$0x4] =	stream.linear.gather [spmem:s8], $0x4000, $0x38;
	[tilespmem:$0x1E900] =	vst v63  }
0xa5: {  	_ =	swait.ge [sflag:s24], $0x4000  }
0xa6: {  	[sflag:s24] =	ssyncset.done $0x0  }
0xa7: {  	s13 =	rddreg [dreg:$0x5];
	[sflag:s24] =	ssyncadd.s32 $0xFFFFC000  }
0xa8: {  	[hbm4b:s13+s3] =	stream.linear.scatter [tilespmem:s25], [sflag:$0x4], $0x4000, $0x38;
	[tilespmem:$0x1E900] =	vst v63  }
0xa9: {  	_ =	swait.ge [sflag:s24], $0x4000  }
0xaa: {  	[sflag:s24] =	ssyncset.done $0x0  }
0xab: {  	[sflag:s24] =	ssyncadd.s32 $0xFFFFC000  }
0xac: {  	[tilespmem:s25], [sflag:$0x4] =	stream.linear.gather [spmem:s9], $0x4000, $0x38;
	[tilespmem:$0x1E900] =	vst v63  }
0xad: {  	_ =	swait.ge [sflag:s24], $0x4000  }
0xae: {  	[sflag:s24] =	ssyncset.done $0x0  }
0xaf: {  	s14 =	rddreg [dreg:$0x6];
	[sflag:s24] =	ssyncadd.s32 $0xFFFFC000  }
0xb0: {  	[hbm4b:s14+s3] =	stream.linear.scatter [tilespmem:s25], [sflag:$0x4], $0x4000, $0x38;
	[tilespmem:$0x1E900] =	vst v63  }
0xb1: {  	_ =	swait.ge [sflag:s24], $0x4000  }
0xb2: {  	[sflag:s24] =	ssyncset.done $0x0  }
0xb3: {  	[sflag:s24] =	ssyncadd.s32 $0xFFFFC000  }
0xb4: {  	[tilespmem:s25], [sflag:$0x4] =	stream.linear.gather [spmem:s10], $0x4000, $0x38;
	[tilespmem:$0x1E900] =	vst v63  }
0xb5: {  	_ =	swait.ge [sflag:s24], $0x4000  }
0xb6: {  	[sflag:s24] =	ssyncset.done $0x0  }
0xb7: {  	s15 =	rddreg [dreg:$0x7];
	[sflag:s24] =	ssyncadd.s32 $0xFFFFC000  }
0xb8: {  	[hbm4b:s15+s3] =	stream.linear.scatter [tilespmem:s25], [sflag:$0x4], $0x4000, $0x38;
	[tilespmem:$0x1E900] =	vst v63  }
0xb9: {  	_ =	swait.ge [sflag:s24], $0x4000  }
0xba: {  	[sflag:s24] =	ssyncset.done $0x0  }
0xbb: {  	[sflag:s24] =	ssyncadd.s32 $0xFFFFC000  }
0xbc: {  	[tilespmem:s25], [sflag:$0x4] =	stream.linear.gather [spmem:s11], $0x4000, $0x38;
	[tilespmem:$0x1E900] =	vst v63  }
0xbd: {  	_ =	swait.ge [sflag:s24], $0x4000  }
0xbe: {  	[sflag:s24] =	ssyncset.done $0x0  }
0xbf: {  	[sflag:s24] =	ssyncadd.s32 $0xFFFFC000  }
0xc0: {  	[hbm4b:s17+s3] =	stream.linear.scatter [tilespmem:s25], [sflag:$0x4], $0x4000, $0x38;
	[tilespmem:$0x1E900] =	vst v63  }
0xc1: {  	_ =	swait.ge [sflag:s24], $0x4000  }
0xc2: {  	[sflag:s24] =	ssyncset.done $0x0  }
0xc3: {  	[sflag:s24] =	ssyncadd.s32 $0xFFFFC000  }
0xc4: {  	[tilespmem:s25], [sflag:$0x4] =	stream.linear.gather [spmem:s12], $0x4000, $0x38;
	[tilespmem:$0x1E900] =	vst v63  }
0xc5: {  	s23 =	sadd.s32 $0x1, s23;
	_ =	swait.ge [sflag:s24], $0x4000  }
0xc6: {  	p0 =	sne.s32 s23, s20;
	[sflag:s24] =	ssyncset.done $0x0  }
.Ltmp1:
0xc7: {  	[sflag:s24] =	ssyncadd.s32 $0xFFFFC000;
	(pc) =	sbr.rel @p0 .LBB2_1-.Ltmp1, $4  }
0xc8: {  	[hbm4b:s18+s3] =	stream.linear.scatter [tilespmem:s25], [sflag:$0x4], $0x4000, $0x38;
	[tilespmem:$0x1E900] =	vst v63  }
0xc9: {  	_ =	swait.ge [sflag:s24], $0x4000  }
0xca: {  	[sflag:s24] =	ssyncset.done $0x0  }
0xcb: {  	[sflag:s24] =	ssyncadd.s32 $0xFFFFC000  }
0xcc: {  	_ =	sfence.sel $0x180000  }
0xcd: {  	[bflag:$0x0] =	sbarrier.arrive $0xFFFF  }
0xce: {  	_ =	strace $0x9000004A  }
0xcf: {  	s0 =	stileid.u32;
	[bflag:$0x2] =	sbarrier.arrive $0xFFFF  }
0xd0: {  	p0 =	sne.s32 s0, $0x0;
	s0 =	rddreg [dreg:$0x2]  }
0xd1: {  	s0 =	sadd.s32 @!p0 $0x100000, s0  }
0xd2: {  	[sflag:s0] =	ssyncadd.tile.s32 @!p0 $0x1;
	_ =	shalt  }
.Lfunc_end2:
_tile_overlayer_lowered:
.L_overlay_start_2:
0xd3: {  	(tag) =	ssettag $0x2  }
0xd4: {  	s0 =	rddreg [dreg:$0x0];
	s2 =	stileid.u32  }
0xd5: {  	s1 =	rddreg [dreg:$0x1];
	p0 =	sne.s32 s2, $0x0  }
0xd6: {  	s3 =	rddreg [dreg:$0x2];
	[bflag:$0x3] =	sbarrier.arrive $0xFFFF;
	s2 =	simm.s32 @!p0 $0x1C04  }
0xd7: {  	[timem:s3], [sflag:s2] =	dma.local @!p0 [hbm:s0], s1  }
0xd8: {  	s0 =	simm.s32 @!p0 $0x4  }
0xd9: {  	_ =	swait.ge @!p0 [sflag:s0], s1  }
0xda: {  	s1 =	ssub.s32 @!p0 $0x0, s1;
	[sflag:s0] =	ssyncset.done @!p0 $0x0  }
0xdb: {  	[sflag:s0] =	ssyncadd.s32 @!p0 s1  }
0xdc: {  	[bflag:$0x3] =	sbarrier.arrive $0xFFFF  }
0xdd: {  	_ =	shalt  }

// kernel: kernel.15.cloned.1.call-start
scs
__scs_entry_jumppad:
0x0: {  	(pc) =	sbr.rel $0x88, $3  }
0x1: {  	(tag) =	ssettag $0x0;
	lr =	simm.s32 $0x1  }
0x2: {  	[smem:$0x3F98] =	sst lr;
	_ =	strace $0xD0000000  }
0x3: {  	_ = 	snop  }
0x4: {  	_ = 	snop  }
0x5: {  	_ = 	snop  }
0x6: {  	_ = 	snop  }
0x7: {  	_ = 	snop  }
__scs_overlays_trampoline_lowered:
0x8: {  	[smem:$0x3FA7] =	sst s0  }
0x9: {  	[smem:$0x3FA8] =	sst s1  }
0xa: {  	[smem:$0x3FA9] =	sst s2  }
0xb: {  	[smem:$0x3FAA] =	sst s3  }
0xc: {  	[smem:$0x3FAB] =	sst s4  }
0xd: {  	[smem:$0x3FAC] =	sst s5  }
0xe: {  	[smem:$0x3FAD] =	sst s6  }
0xf: {  	[smem:$0x3FAE] =	sst s7  }
0x10: {  	[smem:$0x3FAF] =	sst s8  }
0x11: {  	[smem:$0x3FB0] =	sst s9;
	s0 =	simm.s32 @!p0 $0x0  }
0x12: {  	s1 =	sld [smem:$0x3F96];
	s0 =	simm.s32 @p0 $0x1  }
0x13: {  	[smem:$0x3FB1] =	sst s0;
	s0 =	simm.s32 @!p1 $0x0  }
0x14: {  	s2 =	sld [smem:$0x3F95];
	s0 =	simm.s32 @p1 $0x1  }
0x15: {  	[smem:$0x3FB2] =	sst s0;
	s0 =	simm.s32 @!p2 $0x0  }
0x16: {  	s3 =	sld [smem:$0x3FDB];
	s0 =	simm.s32 @p2 $0x1  }
0x17: {  	s4 =	simm.s32 $0x1BF5;
	[smem:$0x3FB4] =	sst s0  }
0x18: {  	s0 =	sld [smem:$0x3F97];
	_ =	swait.ge [sflag:s4], $0x0  }
0x19: {  	s7 =	sld [smem:$0x3F98]  }
0x1a: {  	s8 =	sadd.s32 $0xFFFFE003, lr  }
0x1b: {  	s9 =	sadd.s32 $0xFFFFFEF7, lr;
	s5 =	simm.s32 $0xFFFFFFFF;
	p2 =	slt.u32 s8, $0xFFFFF086  }
0x1c: {  	p1 =	slt.u32 s9, $0xF7A;
	s5 =	simm.s32 @!p2 $0x0  }
0x1d: {  	s5 =	simm.s32 @p1 $0x1;
	p0 =	seq.s32 s7, s2  }
0x1e: {  	s7 =	smul.u32 @!p0 $0xF7A, s2;
	p2 =	seq.s32 @!p0 s5, $0x0  }
0x1f: {  	s9 =	smul.u32 $0xF7A, s1;
	s8 =	simm.s32 @!p0 $0x1BF5;
	p2 =	por !p2, p0  }
0x20: {  	[sflag:s8] =	ssyncset.s32 @!p0 $0xFFFFF086;
	s6 =	sadd.s32 @!p0 s3, s7;
	s7 =	simm.s32 @!p0 $0x108  }
0x21: {  	s3 =	sadd.s32 s3, s9;
	s6 =	sadd.s32 @!p0 $0x88, s6;
	s7 =	simm.s32 @p2 $0x1082  }
0x22: {  	[simem:s7], [sflag:s8] =	dma.local @!p0 [hbm:s6], $0xF7A  }
0x23: {  	s9 =	sor.u32 $0xD0000000, s2;
	s6 =	simm.s32 $0x108;
	_ =	swait.ge @!p0 [sflag:s8], $0x0  }
0x24: {  	s3 =	sadd.s32 $0x88, s3;
	s6 =	simm.s32 @!p1 $0x1082;
	[sflag:s4] =	ssyncset.s32 $0xFFFFF086  }
0x25: {  	[simem:s6], [sflag:s4] =	dma.local [hbm:s3], $0xF7A  }
0x26: {  	[smem:$0x3F98] =	sst s1;
	(tag) =	ssettag s2;
	_ =	strace s9  }
0x27: {  	s1 =	sld [smem:$0x3FA8]  }
0x28: {  	s2 =	sld [smem:$0x3FA9]  }
0x29: {  	s4 =	sld [smem:$0x3FAB]  }
0x2a: {  	p0 =	seq.s32 s5, $0x0;
	s5 =	sld [smem:$0x3FAC]  }
0x2b: {  	s6 =	sld [smem:$0x3FAD]  }
0x2c: {  	s7 =	sld [smem:$0x3FAE]  }
0x2d: {  	s3 =	simm.s32 $0x108;
	s8 =	sld [smem:$0x3FAF]  }
0x2e: {  	s3 =	simm.s32 @!p0 $0x1082;
	s9 =	sld [smem:$0x3FB0]  }
0x2f: {  	lr =	sadd.s32 s0, s3;
	s0 =	sld [smem:$0x3FA7]  }
0x30: {  	s3 =	sld [smem:$0x3FAA]  }
0x31: {  	[smem:$0x3FB3] =	sst s10  }
0x32: {  	s10 =	sld [smem:$0x3FB1];
	_ =	sdelay $0x3  }
0x33: {  	p0 =	seq.s32 s10, $0x1;
	s10 =	sld [smem:$0x3FB3];
	_ =	sdelay $0x3  }
0x34: {  	[smem:$0x3FB3] =	sst s10  }
0x35: {  	s10 =	sld [smem:$0x3FB2];
	_ =	sdelay $0x3  }
0x36: {  	p1 =	seq.s32 s10, $0x1;
	s10 =	sld [smem:$0x3FB3];
	_ =	sdelay $0x3  }
0x37: {  	[smem:$0x3FB3] =	sst s10  }
0x38: {  	s10 =	sld [smem:$0x3FB4]  }
0x39: {  	_ = 	snop;
	(pc) =	sbr.ind lr, $3  }
0x3a: {  	_ = 	snop  }
0x3b: {  	_ = 	snop  }
0x3c: {  	p2 =	seq.s32 s10, $0x1;
	s10 =	sld [smem:$0x3FB3]  }
0x3d: {  	_ =	shalt  }
0x3e: {  	_ =	shalt  }
0x3f: {  	_ =	shalt  }
0x40: {  	_ =	shalt  }
0x41: {  	_ =	shalt  }
0x42: {  	_ =	shalt  }
0x43: {  	_ =	shalt  }
0x44: {  	_ =	shalt  }
0x45: {  	_ =	shalt  }
0x46: {  	_ =	shalt  }
0x47: {  	_ =	shalt  }
0x48: {  	_ =	shalt  }
0x49: {  	_ =	shalt  }
0x4a: {  	_ =	shalt  }
0x4b: {  	_ =	shalt  }
0x4c: {  	_ =	shalt  }
0x4d: {  	_ =	shalt  }
0x4e: {  	_ =	shalt  }
0x4f: {  	_ =	shalt  }
0x50: {  	_ =	shalt  }
0x51: {  	_ =	shalt  }
0x52: {  	_ =	shalt  }
0x53: {  	_ =	shalt  }
0x54: {  	_ =	shalt  }
0x55: {  	_ =	shalt  }
0x56: {  	_ =	shalt  }
0x57: {  	_ =	shalt  }
0x58: {  	_ =	shalt  }
0x59: {  	_ =	shalt  }
0x5a: {  	_ =	shalt  }
0x5b: {  	_ =	shalt  }
0x5c: {  	_ =	shalt  }
0x5d: {  	_ =	shalt  }
0x5e: {  	_ =	shalt  }
0x5f: {  	_ =	shalt  }
0x60: {  	_ =	shalt  }
0x61: {  	_ =	shalt  }
0x62: {  	_ =	shalt  }
0x63: {  	_ =	shalt  }
0x64: {  	_ =	shalt  }
0x65: {  	_ =	shalt  }
0x66: {  	_ =	shalt  }
0x67: {  	_ =	shalt  }
0x68: {  	_ =	shalt  }
0x69: {  	_ =	shalt  }
0x6a: {  	_ =	shalt  }
0x6b: {  	_ =	shalt  }
0x6c: {  	_ =	shalt  }
0x6d: {  	_ =	shalt  }
0x6e: {  	_ =	shalt  }
0x6f: {  	_ =	shalt  }
0x70: {  	_ =	shalt  }
0x71: {  	_ =	shalt  }
0x72: {  	_ =	shalt  }
0x73: {  	_ =	shalt  }
0x74: {  	_ =	shalt  }
0x75: {  	_ =	shalt  }
0x76: {  	_ =	shalt  }
0x77: {  	_ =	shalt  }
0x78: {  	_ =	shalt  }
0x79: {  	_ =	shalt  }
0x7a: {  	_ =	shalt  }
0x7b: {  	_ =	shalt  }
0x7c: {  	_ =	shalt  }
0x7d: {  	_ =	shalt  }
0x7e: {  	_ =	shalt  }
0x7f: {  	_ =	shalt  }
0x80: {  	_ =	shalt  }
0x81: {  	_ =	shalt  }
0x82: {  	_ =	shalt  }
0x83: {  	_ =	shalt  }
0x84: {  	_ =	shalt  }
0x85: {  	_ =	shalt  }
0x86: {  	_ =	shalt  }
0x87: {  	_ =	shalt  }
.Lfunc_end0:
.L_simem_size_0:
called_computation.2_lowered:
.L_overlay_start_0:
0x88: {  	s2 =	sld [smem:$0x3FD9]  }
0x89: {  	s3 =	sld [smem:$0x3FFE];
	_ =	sdelay $0x1  }
0x8a: {  	s1 =	srdreg.scid  }
0x8b: {  	s0 =	sand.u32 $0x1, s1  }
0x8c: {  	s17 =	sshll.u32 s0, $0xA;
	s2 =	sadd.s32 s3, s2  }
0x8d: {  	s2 =	sadd.s32 s2, s17  }
0x8e: {  	[smem:$0x3FBF] =	sst s2  }
0x8f: {  	_ = 	snop  }
0x90: {  	s2 =	sld [smem:$0x3FD0];
	(tm) =	ssettm $0x1  }
0x91: {  	s18 =	sld [smem:$0x3FFB];
	_ =	sdelay $0x3  }
0x92: {  	_ =	strace s18  }
0x93: {  	s3 =	sld [smem:$0x3FFC];
	_ =	sdelay $0x3  }
0x94: {  	_ =	strace s3  }
0x95: {  	s3 =	sld [smem:$0x3FFD];
	_ =	sdelay $0x3  }
0x96: {  	_ =	strace s3  }
0x97: {  	_ =	strace $0x8FFFFFFF  }
0x98: {  	s19 =	sld [smem:$0x3FDB];
	_ =	sdelay $0x1  }
0x99: {  	s4 =	simm.s32 $_scs_section_size  }
0x9a: {  	s5 =	simm.s32 $_size__tile_overlayer_lowered;
	s6 =	simm.s32 $_tile_overlayer_lowered  }
0x9b: {  	s22 =	simm.s32 $0x1BFF;
	s21 =	sshll.u32 s6, $0x1;
	s3 =	sadd.s32 s4, s19  }
0x9c: {  	s7 =	simm.s32 $0x0;
	s20 =	sshll.u32 s5, $0x1;
	s5 =	sadd.s32 s21, s3  }
0x9d: {  	[timem:s7], [sflag:s22] =	dma.local [hbm:s5], s20  }
0x9e: {  	_ =	swait.ge [sflag:s22], s20  }
0x9f: {  	s4 =	ssub.s32 $0x0, s20;
	[sflag:s22] =	ssyncset.done $0x0  }
0xa0: {  	[sflag:s22] =	ssyncadd.s32 s4;
	_ =	sdelay $0x1  }
0xa1: {  	s23 =	simm.s32 $0x1B8B  }
0xa2: {  	_ =	swait.ge [sflag:s23], $0x1  }
0xa3: {  	[sflag:s23] =	ssyncset.done $0x0  }
0xa4: {  	s25 =	simm.s32 $0x1B8E;
	s24 =	sld [smem:$0x3FFE];
	[sflag:s23] =	ssyncadd.s32 $0xFFFFFFFF  }
0xa5: {  	s26 =	simm.s32 $execute0_lowered;
	[smem:$0x3FD2] =	sst s25  }
0xa6: {  	s5 =	sshll.u32 s26, $0x1;
	_ =	strace $0x8000004C;
	[dreg:$0x1] =	wrdreg $0xFFFFFFFF  }
0xa7: {  	s28 =	simm.s32 $_size_execute0_lowered;
	s3 =	sadd.s32 s3, s5;
	[dreg:$0x0] =	wrdreg $0x0  }
0xa8: {  	s5 =	sshll.u32 s28, $0x1;
	[dreg:$0x2] =	wrdreg s3  }
0xa9: {  	[dreg:$0x3] =	wrdreg s5  }
0xaa: {  	[dreg:$0x4] =	wrdreg $0xC0  }
0xab: {  	_ =	task [dreg:s7], $0x5FFFF  }
0xac: {  	[dreg:$0x1] =	wrdreg $0xFFFFFFFF  }
0xad: {  	[dreg:$0x0] =	wrdreg $0x60  }
0xae: {  	[dreg:$0x2] =	wrdreg s24  }
0xaf: {  	[dreg:$0x3] =	wrdreg s2  }
0xb0: {  	[dreg:$0x4] =	wrdreg $0xA9000  }
0xb1: {  	[dreg:$0x5] =	wrdreg $0x9  }
0xb2: {  	_ =	task.clear_ibuf [dreg:s7], $0x6FFFF;
	_ =	strace $0x9000004C  }
0xb3: {  	s29 =	simm.s32 $0x9;
	_ =	strace $0x8000004E  }
0xb4: {  	_ =	swait.ge [sflag:s29], $0x1  }
0xb5: {  	[sflag:s29] =	ssyncadd.s32 $0xFFFFFFFF  }
0xb6: {  	_ =	strace $0x9000004E  }
0xb7: {  	_ =	sfence  }
0xb8: {  	s30 =	sld [smem:$0x0];
	_ =	sdelay $0x2  }
0xb9: {  	s31 =	sshll.u32 s1, $0xD;
	s1 =	sshrl.u32 s1, $0x2  }
0xba: {  	s3 =	sand.u32 $0x4000, s31;
	s1 =	sadd.s32 s1, s30  }
0xbb: {  	s0 =	sor.u32 s3, s0;
	s1 =	sshll.u32 s1, $0x11  }
0xbc: {  	s0 =	sor.u32 s1, s0  }
0xbd: {  	s0 =	sadd.s32 $0x8F2B, s0  }
0xbe: {  	[sflag:s0] =	ssyncadd.remote.s32 $0x1  }
0xbf: {  	_ =	sfence.sel $0xFFFF  }
0xc0: {  	[dreg:$0x0] =	wrdreg $0xFFFFFFFF;
	(pc) =	sbr.abs _section_cstart, $3  }
0xc1: {  	[dreg:$0x1] =	wrdreg $0xFFFFFFFF  }
0xc2: {  	_ =	task.clear_ibuf [dreg:s7], $0x2FFFF;
	_ =	strace $0x9FFFFFFF  }
0xc3: {  	(tm) =	ssettm $0x7FFFFFFF  }
tec
execute0_lowered:
.L_overlay_start_1:
0x0: {  	(tag) =	ssettag $0x1  }
0x1: {  	s0 =	rddreg [dreg:$0x0]  }
0x2: {  	s2 =	rddreg [dreg:$0x1]  }
0x3: {  	s1 =	srdreg.scid;
	s20 =	stileid.u32  }
0x4: {  	s3 =	rddreg [dreg:$0x2];
	s4 =	simm.s32 $0x0;
	s28 =	simm.s32 $0x1  }
0x5: {  	s29 =	simm.s32 $0x3;
	s30 =	simm.s32 $0x6900;
	s31 =	simm.s32 $0x2  }
0x6: {  	s1 =	sand.u32 $0x1, s1;
	s5 =	sshll.u32 s20, $0x1;
	s9 =	smul.u32 $0x50000, s20  }
0x7: {  	[smem:$0x7FF] =	sst s4;
	s10 =	sadd.s32 $0x5C000, s0;
	s13 =	smul.u32 $0x14000, s20  }
0x8: {  	s5 =	sor.u32 s1, s5;
	_ =	strace $0x8000004D;
	s16 =	smul.u32 $0x140000, s1  }
0x9: {  	s8 =	ssub.s32 $0x2, s1;
	[dreg:$0x4] =	wrdreg s10;
	s1 =	smul.u32 $0x500, s1  }
0xa: {  	s6 =	smul.u32 $0x500, s5;
	s5 =	sadd.s32 $0x16E00, s0;
	s23 =	sshrl.u32 s8, $0x1  }
0xb: {  	s24 =	sshrl.u32 s9, $0x2;
	s25 =	sadd.s32 $0x4000, s13;
	s15 =	sadd.s32 $0x8000, s13  }
0xc: {  	s17 =	sadd.s32 $0xC000, s13;
	s18 =	sadd.s32 $0x10000, s13;
	s14 =	ssub.s32 s8, s23  }
0xd: {  	s8 =	sadd.s32 s24, s3;
	s9 =	sadd.s32 s25, s3;
	s10 =	sadd.s32 s15, s3  }
0xe: {  	s11 =	sadd.s32 s17, s3;
	s12 =	sadd.s32 s18, s3;
	s19 =	sadd.s32 s13, s16  }
0xf: {  	s22 =	sadd.s32 s16, s15;
	s24 =	smul.u32 $0xA00, s20;
	s17 =	sadd.s32 s16, s17  }
0x10: {  	s18 =	sadd.s32 s16, s18;
	s7 =	sadd.s32 s6, s0;
	s0 =	sadd.s32 $0x5C800, s0  }
0x11: {  	s26 =	sadd.s32 s2, s6;
	s19 =	sshrl.u32 s19, $0x3;
	s23 =	sshrl.u32 s22, $0x3  }
0x12: {  	s18 =	sshrl.u32 s18, $0x3;
	s20 =	smax.u32 s14, $0x1;
	s7 =	sadd.s32 $0xCE00, s7  }
0x13: {  	s6 =	sadd.s32 s0, s19;
	s18 =	sadd.s32 s0, s18;
	s19 =	sadd.s32 s1, s24  }
0x14: {  	s24 =	simm.s32 $0x4;
	[dreg:$0x5] =	wrdreg s7;
	s7 =	sadd.s32 s16, s25  }
0x15: {  	[dreg:$0x6] =	wrdreg s6;
	s25 =	sshrl.u32 s17, $0x3;
	s16 =	smov.u32 s26  }
0x16: {  	s21 =	sshrl.u32 s7, $0x3;
	s17 =	sadd.s32 s0, s25;
	s25 =	simm.s32 $0x2900  }
0x17: {  	s6 =	sadd.s32 s0, s21;
	s21 =	sadd.s32 $0x4F0, s26;
	s26 =	sadd.s32 s2, s19  }
0x18: {  	[dreg:$0x7] =	wrdreg s6;
	s6 =	sadd.s32 s0, s23;
	s22 =	sadd.s32 $0x20, s26  }
0x19: {  	s26 =	simm.s32 $0x80;
	s23 =	simm.s32 $0x0;
	[dreg:$0x8] =	wrdreg s6  }
.LBB2_1:
0x1a: {  	s0 =	rddreg [dreg:$0x5];
	s1 =	simm.s32 $0x100  }
0x1b: {  	[tilespmem:s1], [sflag:$0x4] =	stream.linear.gather [hbm4b:s0+s4], $0x2800, $0x38;
	[tilespmem:$0x1E900] =	vst v63  }
0x1c: {  	_ =	swait.ge [sflag:s24], $0x2800  }
0x1d: {  	[sflag:s24] =	ssyncset.done $0x0  }
0x1e: {  	s1 =	rddreg [dreg:$0x4];
	[sflag:s24] =	ssyncadd.s32 $0xFFFFD800  }
0x1f: {  	[tilespmem:s25], [sflag:$0x4] =	stream.linear.gather [hbm4b:s1+s4], $0x4000, $0x38;
	[tilespmem:$0x1E900] =	vst v63  }
0x20: {  	_ =	swait.ge [sflag:s24], $0x4000  }
0x21: {  	[sflag:s24] =	ssyncset.done $0x0  }
0x22: {  	[sflag:s24] =	ssyncadd.s32 $0xFFFFC000  }
0x23: {  	[spmem:s8] =	stream.linear.scatter [tilespmem:s25], [sflag:$0x4], $0x4000, $0x38;
	[tilespmem:$0x1E900] =	vst v63  }
0x24: {  	_ =	swait.ge [sflag:s24], $0x4000  }
0x25: {  	[sflag:s24] =	ssyncset.done $0x0  }
0x26: {  	[sflag:s24] =	ssyncadd.s32 $0xFFFFC000  }
0x27: {  	[spmem:s9] =	stream.linear.scatter [tilespmem:s25], [sflag:$0x4], $0x4000, $0x38;
	[tilespmem:$0x1E900] =	vst v63  }
0x28: {  	_ =	swait.ge [sflag:s24], $0x4000  }
0x29: {  	[sflag:s24] =	ssyncset.done $0x0  }
0x2a: {  	[sflag:s24] =	ssyncadd.s32 $0xFFFFC000  }
0x2b: {  	[spmem:s10] =	stream.linear.scatter [tilespmem:s25], [sflag:$0x4], $0x4000, $0x38;
	[tilespmem:$0x1E900] =	vst v63  }
0x2c: {  	_ =	swait.ge [sflag:s24], $0x4000  }
0x2d: {  	[sflag:s24] =	ssyncset.done $0x0  }
0x2e: {  	[sflag:s24] =	ssyncadd.s32 $0xFFFFC000  }
0x2f: {  	[spmem:s11] =	stream.linear.scatter [tilespmem:s25], [sflag:$0x4], $0x4000, $0x38;
	[tilespmem:$0x1E900] =	vst v63  }
0x30: {  	_ =	swait.ge [sflag:s24], $0x4000  }
0x31: {  	[sflag:s24] =	ssyncset.done $0x0  }
0x32: {  	[sflag:s24] =	ssyncadd.s32 $0xFFFFC000  }
0x33: {  	[spmem:s12] =	stream.linear.scatter [tilespmem:s25], [sflag:$0x4], $0x4000, $0x38;
	[tilespmem:$0x1E900] =	vst v63  }
0x34: {  	_ =	swait.ge [sflag:s24], $0x4000  }
0x35: {  	[sflag:s24] =	ssyncset.done $0x0  }
0x36: {  	[sflag:s24] =	ssyncadd.s32 $0xFFFFC000  }
0x37: {  	[bflag:$0x0] =	sbarrier.arrive $0xFFFF  }
0x38: {  	[tilespmem:s4], [sflag:$0x4] =	stream.linear.gather [hbm4b:s16+s4], $0x80, $0x38;
	[tilespmem:$0x1E900] =	vst v63  }
0x39: {  	s6 =	sadd.s32 $0x0, s19;
	s7 =	sand.u32 $0x60, s4;
	_ =	swait.ge [sflag:s24], $0x80  }
0x3a: {  	s0 =	sand.u32 $0xFFFFF80, s6;
	s1 =	sadd.s32 s7, s2;
	[sflag:s24] =	ssyncset.done $0x0  }
0x3b: {  	s0 =	sadd.s32 s0, s1;
	[sflag:s24] =	ssyncadd.s32 $0xFFFFFF80  }
0x3c: {  	[tilespmem:s25], [sflag:$0x1] =	stream.indirect.gather [hbm4b:s5+s26], $0x80, s4, s26, $0xb8;
	[tilespmem:$0x1E900] =	vst v63  }
0x3d: {  	s0 =	sadd.s32 $0x10, s0  }
0x3e: {  	[tilespmem:s26], [sflag:$0x3] =	stream.linear.gather [hbm4b:s0+s4], $0x80, $0x38;
	[tilespmem:$0x1E900] =	vst v63  }
0x3f: {  	_ =	swait.ge [sflag:s28], $0x4000  }
0x40: {  	[sflag:s28] =	ssyncset.done $0x0  }
0x41: {  	[sflag:s28] =	ssyncadd.s32 $0xFFFFC000  }
0x42: {  	_ =	swait.ge [sflag:s29], $0x80  }
0x43: {  	[sflag:s29] =	ssyncset.done $0x0  }
0x44: {  	[sflag:s29] =	ssyncadd.s32 $0xFFFFFF80  }
0x45: {  	[tilespmem:s30], [sflag:$0x2] =	stream.indirect.gather [hbm4b:s5+s26], $0x80, s26, s26, $0xb8;
	[tilespmem:$0x1E900] =	vst v63  }
0x46: {  	s13 =	simm.s32 $0x100  }
0x47: {  	[spmem:s3] =	stream.indirect.scatter.add.f32 [tilespmem:s25], [sflag:$0x4], $0x80, s13, s26, $0xb8;
	[tilespmem:$0x1E900] =	vst v63  }
0x48: {  	_ =	swait.ge [sflag:s24], $0x4000  }
0x49: {  	[sflag:s24] =	ssyncset.done $0x0  }
0x4a: {  	s14 =	sadd.s32 $0x0, s22;
	[sflag:s24] =	ssyncadd.s32 $0xFFFFC000  }
0x4b: {  	[tilespmem:s4], [sflag:$0x3] =	stream.linear.gather [hbm4b:s14+s4], $0x80, $0x38;
	[tilespmem:$0x1E900] =	vst v63  }
0x4c: {  	_ =	swait.ge [sflag:s31], $0x4000  }
0x4d: {  	[sflag:s31] =	ssyncset.done $0x0  }
0x4e: {  	[sflag:s31] =	ssyncadd.s32 $0xFFFFC000  }
0x4f: {  	_ =	swait.ge [sflag:s29], $0x80  }
0x50: {  	[sflag:s29] =	ssyncset.done $0x0  }
0x51: {  	s15 =	sadd.s32 $0x20, s19;
	[sflag:s29] =	ssyncadd.s32 $0xFFFFFF80  }
0x52: {  	[tilespmem:s25], [sflag:$0x1] =	stream.indirect.gather [hbm4b:s5+s26], $0x80, s4, s26, $0xb8;
	[tilespmem:$0x1E900] =	vst v63  }
0x53: {  	s6 =	simm.s32 $0x40;
	s7 =	simm.s32 $0x180;
	s0 =	simm.s32 $0x20  }
0x54: {  	[spmem:s3] =	stream.indirect.scatter.add.f32 [tilespmem:s30], [sflag:$0x4], $0x80, s7, s26, $0xb8;
	[tilespmem:$0x1E900] =	vst v63  }
0x55: {  	s1 =	simm.s32 $0x280;
	s14 =	sand.u32 $0x60, s0;
	_ =	swait.ge [sflag:s24], $0x4000  }
0x56: {  	s14 =	sadd.s32 s14, s2;
	s7 =	sand.u32 $0xFFFFF80, s15;
	[sflag:s24] =	ssyncset.done $0x0  }
.LBB2_2:
0x57: {  	s7 =	sadd.s32 s7, s14;
	[sflag:s24] =	ssyncadd.s32 $0xFFFFC000  }
0x58: {  	s14 =	smov.u32 s6;
	s15 =	sadd.s32 $0x20, s6;
	s13 =	smov.u32 s1  }
0x59: {  	p0 =	sne.s32 s6, $0x4C0;
	s6 =	sadd.s32 $0x10, s7  }
0x5a: {  	[tilespmem:s26], [sflag:$0x3] =	stream.linear.gather [hbm4b:s6+s4], $0x80, $0x38;
	[tilespmem:$0x1E900] =	vst v63  }
0x5b: {  	_ =	swait.ge [sflag:s28], $0x4000  }
0x5c: {  	[sflag:s28] =	ssyncset.done $0x0  }
0x5d: {  	[sflag:s28] =	ssyncadd.s32 $0xFFFFC000  }
0x5e: {  	_ =	swait.ge [sflag:s29], $0x80  }
0x5f: {  	[sflag:s29] =	ssyncset.done $0x0  }
0x60: {  	[sflag:s29] =	ssyncadd.s32 $0xFFFFFF80  }
0x61: {  	[tilespmem:s30], [sflag:$0x2] =	stream.indirect.gather [hbm4b:s5+s26], $0x80, s26, s26, $0xb8;
	[tilespmem:$0x1E900] =	vst v63  }
0x62: {  	s6 =	sadd.s32 $0xFFFFFF80, s1  }
0x63: {  	[spmem:s3] =	stream.indirect.scatter.add.f32 [tilespmem:s25], [sflag:$0x4], $0x80, s6, s26, $0xb8;
	[tilespmem:$0x1E900] =	vst v63  }
0x64: {  	_ =	swait.ge [sflag:s24], $0x4000  }
0x65: {  	[sflag:s24] =	ssyncset.done $0x0  }
0x66: {  	s6 =	sadd.s32 s0, s22;
	s0 =	smov.u32 s14;
	[sflag:s24] =	ssyncadd.s32 $0xFFFFC000  }
0x67: {  	[tilespmem:s4], [sflag:$0x3] =	stream.linear.gather [hbm4b:s6+s4], $0x80, $0x38;
	[tilespmem:$0x1E900] =	vst v63  }
0x68: {  	_ =	swait.ge [sflag:s31], $0x4000  }
0x69: {  	[sflag:s31] =	ssyncset.done $0x0  }
0x6a: {  	[sflag:s31] =	ssyncadd.s32 $0xFFFFC000  }
0x6b: {  	_ =	swait.ge [sflag:s29], $0x80  }
0x6c: {  	[sflag:s29] =	ssyncset.done $0x0  }
0x6d: {  	[sflag:s29] =	ssyncadd.s32 $0xFFFFFF80  }
0x6e: {  	[tilespmem:s25], [sflag:$0x1] =	stream.indirect.gather [hbm4b:s5+s26], $0x80, s4, s26, $0xb8;
	[tilespmem:$0x1E900] =	vst v63  }
.Ltmp0:
0x6f: {  	_ = 	snop;
	(pc) =	sbr.rel @p0 .LBB2_2-.Ltmp0, $4  }
0x70: {  	s1 =	sadd.s32 $0x100, s1;
	s6 =	sadd.s32 s0, s19  }
0x71: {  	[spmem:s3] =	stream.indirect.scatter.add.f32 [tilespmem:s30], [sflag:$0x4], $0x80, s13, s26, $0xb8;
	[tilespmem:$0x1E900] =	vst v63  }
0x72: {  	s7 =	sand.u32 $0xFFFFF80, s6;
	s13 =	sand.u32 $0x60, s0;
	_ =	swait.ge [sflag:s24], $0x4000  }
0x73: {  	s6 =	smov.u32 s15;
	s14 =	sadd.s32 s13, s2;
	[sflag:s24] =	ssyncset.done $0x0  }
0x74: {  	s6 =	sadd.s32 s7, s14  }
0x75: {  	[sflag:s24] =	ssyncadd.s32 $0xFFFFC000;
	s6 =	sadd.s32 $0x10, s6  }
0x76: {  	[tilespmem:s26], [sflag:$0x3] =	stream.linear.gather [hbm4b:s6+s4], $0x80, $0x38;
	[tilespmem:$0x1E900] =	vst v63  }
0x77: {  	_ =	swait.ge [sflag:s28], $0x4000  }
0x78: {  	[sflag:s28] =	ssyncset.done $0x0  }
0x79: {  	[sflag:s28] =	ssyncadd.s32 $0xFFFFC000  }
0x7a: {  	_ =	swait.ge [sflag:s29], $0x80  }
0x7b: {  	[sflag:s29] =	ssyncset.done $0x0  }
0x7c: {  	[sflag:s29] =	ssyncadd.s32 $0xFFFFFF80  }
0x7d: {  	[tilespmem:s30], [sflag:$0x2] =	stream.indirect.gather [hbm4b:s5+s26], $0x80, s26, s26, $0xb8;
	[tilespmem:$0x1E900] =	vst v63  }
0x7e: {  	s15 =	sadd.s32 $0xFFFFFF80, s1  }
0x7f: {  	[spmem:s3] =	stream.indirect.scatter.add.f32 [tilespmem:s25], [sflag:$0x4], $0x80, s15, s26, $0xb8;
	[tilespmem:$0x1E900] =	vst v63  }
0x80: {  	_ =	swait.ge [sflag:s24], $0x4000  }
0x81: {  	[sflag:s24] =	ssyncset.done $0x0  }
0x82: {  	s0 =	sadd.s32 s0, s22;
	[sflag:s24] =	ssyncadd.s32 $0xFFFFC000  }
0x83: {  	[tilespmem:s4], [sflag:$0x3] =	stream.linear.gather [hbm4b:s0+s4], $0x80, $0x38;
	[tilespmem:$0x1E900] =	vst v63  }
0x84: {  	_ =	swait.ge [sflag:s31], $0x4000  }
0x85: {  	[sflag:s31] =	ssyncset.done $0x0  }
0x86: {  	[sflag:s31] =	ssyncadd.s32 $0xFFFFC000  }
0x87: {  	_ =	swait.ge [sflag:s29], $0x80  }
0x88: {  	[sflag:s29] =	ssyncset.done $0x0  }
0x89: {  	[sflag:s29] =	ssyncadd.s32 $0xFFFFFF80  }
0x8a: {  	[tilespmem:s25], [sflag:$0x1] =	stream.indirect.gather [hbm4b:s5+s26], $0x80, s4, s26, $0xb8;
	[tilespmem:$0x1E900] =	vst v63  }
0x8b: {  	_ = 	snop  }
0x8c: {  	[spmem:s3] =	stream.indirect.scatter.add.f32 [tilespmem:s30], [sflag:$0x4], $0x80, s1, s26, $0xb8;
	[tilespmem:$0x1E900] =	vst v63  }
0x8d: {  	_ =	swait.ge [sflag:s24], $0x4000  }
0x8e: {  	[sflag:s24] =	ssyncset.done $0x0  }
0x8f: {  	[sflag:s24] =	ssyncadd.s32 $0xFFFFC000  }
0x90: {  	[tilespmem:s26], [sflag:$0x3] =	stream.linear.gather [hbm4b:s21+s4], $0x80, $0x38;
	[tilespmem:$0x1E900] =	vst v63  }
0x91: {  	_ =	swait.ge [sflag:s28], $0x4000  }
0x92: {  	[sflag:s28] =	ssyncset.done $0x0  }
0x93: {  	[sflag:s28] =	ssyncadd.s32 $0xFFFFC000  }
0x94: {  	_ =	swait.ge [sflag:s29], $0x80  }
0x95: {  	[sflag:s29] =	ssyncset.done $0x0  }
0x96: {  	[sflag:s29] =	ssyncadd.s32 $0xFFFFFF80  }
0x97: {  	[tilespmem:s30], [sflag:$0x2] =	stream.indirect.gather [hbm4b:s5+s26], $0x80, s26, s26, $0xb8;
	[tilespmem:$0x1E900] =	vst v63  }
0x98: {  	s6 =	simm.s32 $0x2800  }
0x99: {  	[spmem:s3] =	stream.indirect.scatter.add.f32 [tilespmem:s25], [sflag:$0x4], $0x80, s6, s26, $0xb8;
	[tilespmem:$0x1E900] =	vst v63  }
0x9a: {  	_ =	swait.ge [sflag:s24], $0x4000  }
0x9b: {  	[sflag:s24] =	ssyncset.done $0x0  }
0x9c: {  	[sflag:s24] =	ssyncadd.s32 $0xFFFFC000  }
0x9d: {  	_ =	swait.ge [sflag:s31], $0x4000  }
0x9e: {  	[sflag:s31] =	ssyncset.done $0x0  }
0x9f: {  	s7 =	simm.s32 $0x2880;
	[sflag:s31] =	ssyncadd.s32 $0xFFFFC000  }
0xa0: {  	[spmem:s3] =	stream.indirect.scatter.add.f32 [tilespmem:s30], [sflag:$0x4], $0x80, s7, s26, $0xb8;
	[tilespmem:$0x1E900] =	vst v63  }
0xa1: {  	_ =	swait.ge [sflag:s24], $0x4000  }
0xa2: {  	[sflag:s24] =	ssyncset.done $0x0  }
0xa3: {  	[sflag:s24] =	ssyncadd.s32 $0xFFFFC000  }
0xa4: {  	[bflag:$0x0] =	sbarrier.arrive $0xFFFF  }
0xa5: {  	[tilespmem:s25], [sflag:$0x4] =	stream.linear.gather [spmem:s8], $0x4000, $0x38;
	[tilespmem:$0x1E900] =	vst v63  }
0xa6: {  	_ =	swait.ge [sflag:s24], $0x4000  }
0xa7: {  	[sflag:s24] =	ssyncset.done $0x0  }
0xa8: {  	s13 =	rddreg [dreg:$0x6];
	[sflag:s24] =	ssyncadd.s32 $0xFFFFC000  }
0xa9: {  	[hbm4b:s13+s4] =	stream.linear.scatter [tilespmem:s25], [sflag:$0x4], $0x4000, $0x38;
	[tilespmem:$0x1E900] =	vst v63  }
0xaa: {  	_ =	swait.ge [sflag:s24], $0x4000  }
0xab: {  	[sflag:s24] =	ssyncset.done $0x0  }
0xac: {  	[sflag:s24] =	ssyncadd.s32 $0xFFFFC000  }
0xad: {  	[tilespmem:s25], [sflag:$0x4] =	stream.linear.gather [spmem:s9], $0x4000, $0x38;
	[tilespmem:$0x1E900] =	vst v63  }
0xae: {  	_ =	swait.ge [sflag:s24], $0x4000  }
0xaf: {  	[sflag:s24] =	ssyncset.done $0x0  }
0xb0: {  	s14 =	rddreg [dreg:$0x7];
	[sflag:s24] =	ssyncadd.s32 $0xFFFFC000  }
0xb1: {  	[hbm4b:s14+s4] =	stream.linear.scatter [tilespmem:s25], [sflag:$0x4], $0x4000, $0x38;
	[tilespmem:$0x1E900] =	vst v63  }
0xb2: {  	_ =	swait.ge [sflag:s24], $0x4000  }
0xb3: {  	[sflag:s24] =	ssyncset.done $0x0  }
0xb4: {  	[sflag:s24] =	ssyncadd.s32 $0xFFFFC000  }
0xb5: {  	[tilespmem:s25], [sflag:$0x4] =	stream.linear.gather [spmem:s10], $0x4000, $0x38;
	[tilespmem:$0x1E900] =	vst v63  }
0xb6: {  	_ =	swait.ge [sflag:s24], $0x4000  }
0xb7: {  	[sflag:s24] =	ssyncset.done $0x0  }
0xb8: {  	s15 =	rddreg [dreg:$0x8];
	[sflag:s24] =	ssyncadd.s32 $0xFFFFC000  }
0xb9: {  	[hbm4b:s15+s4] =	stream.linear.scatter [tilespmem:s25], [sflag:$0x4], $0x4000, $0x38;
	[tilespmem:$0x1E900] =	vst v63  }
0xba: {  	_ =	swait.ge [sflag:s24], $0x4000  }
0xbb: {  	[sflag:s24] =	ssyncset.done $0x0  }
0xbc: {  	[sflag:s24] =	ssyncadd.s32 $0xFFFFC000  }
0xbd: {  	[tilespmem:s25], [sflag:$0x4] =	stream.linear.gather [spmem:s11], $0x4000, $0x38;
	[tilespmem:$0x1E900] =	vst v63  }
0xbe: {  	_ =	swait.ge [sflag:s24], $0x4000  }
0xbf: {  	[sflag:s24] =	ssyncset.done $0x0  }
0xc0: {  	[sflag:s24] =	ssyncadd.s32 $0xFFFFC000  }
0xc1: {  	[hbm4b:s17+s4] =	stream.linear.scatter [tilespmem:s25], [sflag:$0x4], $0x4000, $0x38;
	[tilespmem:$0x1E900] =	vst v63  }
0xc2: {  	_ =	swait.ge [sflag:s24], $0x4000  }
0xc3: {  	[sflag:s24] =	ssyncset.done $0x0  }
0xc4: {  	[sflag:s24] =	ssyncadd.s32 $0xFFFFC000  }
0xc5: {  	[tilespmem:s25], [sflag:$0x4] =	stream.linear.gather [spmem:s12], $0x4000, $0x38;
	[tilespmem:$0x1E900] =	vst v63  }
0xc6: {  	s23 =	sadd.s32 $0x1, s23;
	_ =	swait.ge [sflag:s24], $0x4000  }
0xc7: {  	p0 =	sne.s32 s23, s20;
	[sflag:s24] =	ssyncset.done $0x0  }
.Ltmp1:
0xc8: {  	[sflag:s24] =	ssyncadd.s32 $0xFFFFC000;
	(pc) =	sbr.rel @p0 .LBB2_1-.Ltmp1, $4  }
0xc9: {  	[hbm4b:s18+s4] =	stream.linear.scatter [tilespmem:s25], [sflag:$0x4], $0x4000, $0x38;
	[tilespmem:$0x1E900] =	vst v63  }
0xca: {  	_ =	swait.ge [sflag:s24], $0x4000  }
0xcb: {  	[sflag:s24] =	ssyncset.done $0x0  }
0xcc: {  	[sflag:s24] =	ssyncadd.s32 $0xFFFFC000  }
0xcd: {  	_ =	sfence.sel $0x180000  }
0xce: {  	[bflag:$0x0] =	sbarrier.arrive $0xFFFF  }
0xcf: {  	_ =	strace $0x9000004D  }
0xd0: {  	s0 =	stileid.u32;
	[bflag:$0x2] =	sbarrier.arrive $0xFFFF  }
0xd1: {  	p0 =	sne.s32 s0, $0x0;
	s0 =	rddreg [dreg:$0x3]  }
0xd2: {  	s0 =	sadd.s32 @!p0 $0x100000, s0  }
0xd3: {  	[sflag:s0] =	ssyncadd.tile.s32 @!p0 $0x1;
	_ =	shalt  }
.Lfunc_end2:
_tile_overlayer_lowered:
.L_overlay_start_2:
0xd4: {  	(tag) =	ssettag $0x2  }
0xd5: {  	s0 =	rddreg [dreg:$0x0];
	s2 =	stileid.u32  }
0xd6: {  	s1 =	rddreg [dreg:$0x1];
	p0 =	sne.s32 s2, $0x0  }
0xd7: {  	s3 =	rddreg [dreg:$0x2];
	[bflag:$0x3] =	sbarrier.arrive $0xFFFF;
	s2 =	simm.s32 @!p0 $0x1C04  }
0xd8: {  	[timem:s3], [sflag:s2] =	dma.local @!p0 [hbm:s0], s1  }
0xd9: {  	s0 =	simm.s32 @!p0 $0x4  }
0xda: {  	_ =	swait.ge @!p0 [sflag:s0], s1  }
0xdb: {  	s1 =	ssub.s32 @!p0 $0x0, s1;
	[sflag:s0] =	ssyncset.done @!p0 $0x0  }
0xdc: {  	[sflag:s0] =	ssyncadd.s32 @!p0 s1  }
0xdd: {  	[bflag:$0x3] =	sbarrier.arrive $0xFFFF  }
0xde: {  	_ =	shalt  }

// kernel: kernel.9.cloned.1.call-start
scs
__scs_entry_jumppad:
0x0: {  	(pc) =	sbr.rel $0x88, $3  }
0x1: {  	(tag) =	ssettag $0x0;
	lr =	simm.s32 $0x1  }
0x2: {  	[smem:$0x3F98] =	sst lr;
	_ =	strace $0xD0000000  }
0x3: {  	_ = 	snop  }
0x4: {  	_ = 	snop  }
0x5: {  	_ = 	snop  }
0x6: {  	_ = 	snop  }
0x7: {  	_ = 	snop  }
__scs_overlays_trampoline_lowered:
0x8: {  	[smem:$0x3FA7] =	sst s0  }
0x9: {  	[smem:$0x3FA8] =	sst s1  }
0xa: {  	[smem:$0x3FA9] =	sst s2  }
0xb: {  	[smem:$0x3FAA] =	sst s3  }
0xc: {  	[smem:$0x3FAB] =	sst s4  }
0xd: {  	[smem:$0x3FAC] =	sst s5  }
0xe: {  	[smem:$0x3FAD] =	sst s6  }
0xf: {  	[smem:$0x3FAE] =	sst s7  }
0x10: {  	[smem:$0x3FAF] =	sst s8  }
0x11: {  	[smem:$0x3FB0] =	sst s9;
	s0 =	simm.s32 @!p0 $0x0  }
0x12: {  	s1 =	sld [smem:$0x3F96];
	s0 =	simm.s32 @p0 $0x1  }
0x13: {  	[smem:$0x3FB1] =	sst s0;
	s0 =	simm.s32 @!p1 $0x0  }
0x14: {  	s2 =	sld [smem:$0x3F95];
	s0 =	simm.s32 @p1 $0x1  }
0x15: {  	[smem:$0x3FB2] =	sst s0;
	s0 =	simm.s32 @!p2 $0x0  }
0x16: {  	s3 =	sld [smem:$0x3FDB];
	s0 =	simm.s32 @p2 $0x1  }
0x17: {  	s4 =	simm.s32 $0x1BF5;
	[smem:$0x3FB4] =	sst s0  }
0x18: {  	s0 =	sld [smem:$0x3F97];
	_ =	swait.ge [sflag:s4], $0x0  }
0x19: {  	s7 =	sld [smem:$0x3F98]  }
0x1a: {  	s8 =	sadd.s32 $0xFFFFE003, lr  }
0x1b: {  	s9 =	sadd.s32 $0xFFFFFEF7, lr;
	s5 =	simm.s32 $0xFFFFFFFF;
	p2 =	slt.u32 s8, $0xFFFFF086  }
0x1c: {  	p1 =	slt.u32 s9, $0xF7A;
	s5 =	simm.s32 @!p2 $0x0  }
0x1d: {  	s5 =	simm.s32 @p1 $0x1;
	p0 =	seq.s32 s7, s2  }
0x1e: {  	s7 =	smul.u32 @!p0 $0xF7A, s2;
	p2 =	seq.s32 @!p0 s5, $0x0  }
0x1f: {  	s9 =	smul.u32 $0xF7A, s1;
	s8 =	simm.s32 @!p0 $0x1BF5;
	p2 =	por !p2, p0  }
0x20: {  	[sflag:s8] =	ssyncset.s32 @!p0 $0xFFFFF086;
	s6 =	sadd.s32 @!p0 s3, s7;
	s7 =	simm.s32 @!p0 $0x108  }
0x21: {  	s3 =	sadd.s32 s3, s9;
	s6 =	sadd.s32 @!p0 $0x88, s6;
	s7 =	simm.s32 @p2 $0x1082  }
0x22: {  	[simem:s7], [sflag:s8] =	dma.local @!p0 [hbm:s6], $0xF7A  }
0x23: {  	s9 =	sor.u32 $0xD0000000, s2;
	s6 =	simm.s32 $0x108;
	_ =	swait.ge @!p0 [sflag:s8], $0x0  }
0x24: {  	s3 =	sadd.s32 $0x88, s3;
	s6 =	simm.s32 @!p1 $0x1082;
	[sflag:s4] =	ssyncset.s32 $0xFFFFF086  }
0x25: {  	[simem:s6], [sflag:s4] =	dma.local [hbm:s3], $0xF7A  }
0x26: {  	[smem:$0x3F98] =	sst s1;
	(tag) =	ssettag s2;
	_ =	strace s9  }
0x27: {  	s1 =	sld [smem:$0x3FA8]  }
0x28: {  	s2 =	sld [smem:$0x3FA9]  }
0x29: {  	s4 =	sld [smem:$0x3FAB]  }
0x2a: {  	p0 =	seq.s32 s5, $0x0;
	s5 =	sld [smem:$0x3FAC]  }
0x2b: {  	s6 =	sld [smem:$0x3FAD]  }
0x2c: {  	s7 =	sld [smem:$0x3FAE]  }
0x2d: {  	s3 =	simm.s32 $0x108;
	s8 =	sld [smem:$0x3FAF]  }
0x2e: {  	s3 =	simm.s32 @!p0 $0x1082;
	s9 =	sld [smem:$0x3FB0]  }
0x2f: {  	lr =	sadd.s32 s0, s3;
	s0 =	sld [smem:$0x3FA7]  }
0x30: {  	s3 =	sld [smem:$0x3FAA]  }
0x31: {  	[smem:$0x3FB3] =	sst s10  }
0x32: {  	s10 =	sld [smem:$0x3FB1];
	_ =	sdelay $0x3  }
0x33: {  	p0 =	seq.s32 s10, $0x1;
	s10 =	sld [smem:$0x3FB3];
	_ =	sdelay $0x3  }
0x34: {  	[smem:$0x3FB3] =	sst s10  }
0x35: {  	s10 =	sld [smem:$0x3FB2];
	_ =	sdelay $0x3  }
0x36: {  	p1 =	seq.s32 s10, $0x1;
	s10 =	sld [smem:$0x3FB3];
	_ =	sdelay $0x3  }
0x37: {  	[smem:$0x3FB3] =	sst s10  }
0x38: {  	s10 =	sld [smem:$0x3FB4]  }
0x39: {  	_ = 	snop;
	(pc) =	sbr.ind lr, $3  }
0x3a: {  	_ = 	snop  }
0x3b: {  	_ = 	snop  }
0x3c: {  	p2 =	seq.s32 s10, $0x1;
	s10 =	sld [smem:$0x3FB3]  }
0x3d: {  	_ =	shalt  }
0x3e: {  	_ =	shalt  }
0x3f: {  	_ =	shalt  }
0x40: {  	_ =	shalt  }
0x41: {  	_ =	shalt  }
0x42: {  	_ =	shalt  }
0x43: {  	_ =	shalt  }
0x44: {  	_ =	shalt  }
0x45: {  	_ =	shalt  }
0x46: {  	_ =	shalt  }
0x47: {  	_ =	shalt  }
0x48: {  	_ =	shalt  }
0x49: {  	_ =	shalt  }
0x4a: {  	_ =	shalt  }
0x4b: {  	_ =	shalt  }
0x4c: {  	_ =	shalt  }
0x4d: {  	_ =	shalt  }
0x4e: {  	_ =	shalt  }
0x4f: {  	_ =	shalt  }
0x50: {  	_ =	shalt  }
0x51: {  	_ =	shalt  }
0x52: {  	_ =	shalt  }
0x53: {  	_ =	shalt  }
0x54: {  	_ =	shalt  }
0x55: {  	_ =	shalt  }
0x56: {  	_ =	shalt  }
0x57: {  	_ =	shalt  }
0x58: {  	_ =	shalt  }
0x59: {  	_ =	shalt  }
0x5a: {  	_ =	shalt  }
0x5b: {  	_ =	shalt  }
0x5c: {  	_ =	shalt  }
0x5d: {  	_ =	shalt  }
0x5e: {  	_ =	shalt  }
0x5f: {  	_ =	shalt  }
0x60: {  	_ =	shalt  }
0x61: {  	_ =	shalt  }
0x62: {  	_ =	shalt  }
0x63: {  	_ =	shalt  }
0x64: {  	_ =	shalt  }
0x65: {  	_ =	shalt  }
0x66: {  	_ =	shalt  }
0x67: {  	_ =	shalt  }
0x68: {  	_ =	shalt  }
0x69: {  	_ =	shalt  }
0x6a: {  	_ =	shalt  }
0x6b: {  	_ =	shalt  }
0x6c: {  	_ =	shalt  }
0x6d: {  	_ =	shalt  }
0x6e: {  	_ =	shalt  }
0x6f: {  	_ =	shalt  }
0x70: {  	_ =	shalt  }
0x71: {  	_ =	shalt  }
0x72: {  	_ =	shalt  }
0x73: {  	_ =	shalt  }
0x74: {  	_ =	shalt  }
0x75: {  	_ =	shalt  }
0x76: {  	_ =	shalt  }
0x77: {  	_ =	shalt  }
0x78: {  	_ =	shalt  }
0x79: {  	_ =	shalt  }
0x7a: {  	_ =	shalt  }
0x7b: {  	_ =	shalt  }
0x7c: {  	_ =	shalt  }
0x7d: {  	_ =	shalt  }
0x7e: {  	_ =	shalt  }
0x7f: {  	_ =	shalt  }
0x80: {  	_ =	shalt  }
0x81: {  	_ =	shalt  }
0x82: {  	_ =	shalt  }
0x83: {  	_ =	shalt  }
0x84: {  	_ =	shalt  }
0x85: {  	_ =	shalt  }
0x86: {  	_ =	shalt  }
0x87: {  	_ =	shalt  }
.Lfunc_end0:
.L_simem_size_0:
called_computation_lowered:
.L_overlay_start_0:
0x88: {  	s2 =	sld [smem:$0x3FD9]  }
0x89: {  	s3 =	sld [smem:$0x3FFE];
	_ =	sdelay $0x1  }
0x8a: {  	s1 =	srdreg.scid  }
0x8b: {  	s0 =	sand.u32 $0x1, s1  }
0x8c: {  	s16 =	sshll.u32 s0, $0xA;
	s2 =	sadd.s32 s3, s2  }
0x8d: {  	s2 =	sadd.s32 s2, s16  }
0x8e: {  	[smem:$0x3FBF] =	sst s2  }
0x8f: {  	_ = 	snop  }
0x90: {  	(tm) =	ssettm $0x1  }
0x91: {  	s17 =	sld [smem:$0x3FFB];
	_ =	sdelay $0x3  }
0x92: {  	_ =	strace s17  }
0x93: {  	s2 =	sld [smem:$0x3FFC];
	_ =	sdelay $0x3  }
0x94: {  	_ =	strace s2  }
0x95: {  	s2 =	sld [smem:$0x3FFD];
	_ =	sdelay $0x3  }
0x96: {  	_ =	strace s2  }
0x97: {  	_ =	strace $0x8FFFFFFF  }
0x98: {  	s18 =	sld [smem:$0x3FDB];
	_ =	sdelay $0x1  }
0x99: {  	s19 =	simm.s32 $_scs_section_size  }
0x9a: {  	s4 =	simm.s32 $_size__tile_overlayer_lowered;
	s5 =	simm.s32 $_tile_overlayer_lowered  }
0x9b: {  	s22 =	simm.s32 $0x1BFF;
	s21 =	sshll.u32 s5, $0x1;
	s2 =	sadd.s32 s19, s18  }
0x9c: {  	s6 =	simm.s32 $0x0;
	s20 =	sshll.u32 s4, $0x1;
	s4 =	sadd.s32 s21, s2  }
0x9d: {  	[timem:s6], [sflag:s22] =	dma.local [hbm:s4], s20  }
0x9e: {  	_ =	swait.ge [sflag:s22], s20  }
0x9f: {  	s3 =	ssub.s32 $0x0, s20;
	[sflag:s22] =	ssyncset.done $0x0  }
0xa0: {  	[sflag:s22] =	ssyncadd.s32 s3;
	_ =	sdelay $0x1  }
0xa1: {  	s23 =	simm.s32 $0x1B8B  }
0xa2: {  	_ =	swait.ge [sflag:s23], $0x1  }
0xa3: {  	[sflag:s23] =	ssyncset.done $0x0  }
0xa4: {  	s25 =	simm.s32 $0x1B8E;
	s24 =	sld [smem:$0x3FFE];
	[sflag:s23] =	ssyncadd.s32 $0xFFFFFFFF  }
0xa5: {  	s26 =	simm.s32 $execute0_lowered;
	[smem:$0x3FD2] =	sst s25  }
0xa6: {  	s4 =	sshll.u32 s26, $0x1;
	_ =	strace $0x80000046;
	[dreg:$0x1] =	wrdreg $0xFFFFFFFF  }
0xa7: {  	s28 =	simm.s32 $_size_execute0_lowered;
	s2 =	sadd.s32 s2, s4;
	[dreg:$0x0] =	wrdreg $0x0  }
0xa8: {  	s4 =	sshll.u32 s28, $0x1;
	[dreg:$0x2] =	wrdreg s2  }
0xa9: {  	[dreg:$0x3] =	wrdreg s4  }
0xaa: {  	[dreg:$0x4] =	wrdreg $0xC0  }
0xab: {  	_ =	task [dreg:s6], $0x5FFFF  }
0xac: {  	[dreg:$0x1] =	wrdreg $0xFFFFFFFF  }
0xad: {  	[dreg:$0x0] =	wrdreg $0x60  }
0xae: {  	[dreg:$0x2] =	wrdreg s24  }
0xaf: {  	[dreg:$0x3] =	wrdreg $0x9  }
0xb0: {  	_ =	task.clear_ibuf [dreg:s6], $0x4FFFF;
	_ =	strace $0x90000046  }
0xb1: {  	s29 =	simm.s32 $0x9;
	_ =	strace $0x80000048  }
0xb2: {  	_ =	swait.ge [sflag:s29], $0x1  }
0xb3: {  	[sflag:s29] =	ssyncadd.s32 $0xFFFFFFFF  }
0xb4: {  	_ =	strace $0x90000048  }
0xb5: {  	_ =	sfence  }
0xb6: {  	s30 =	sld [smem:$0x0];
	_ =	sdelay $0x2  }
0xb7: {  	s31 =	sshll.u32 s1, $0xD;
	s1 =	sshrl.u32 s1, $0x2  }
0xb8: {  	s3 =	sand.u32 $0x4000, s31;
	s1 =	sadd.s32 s1, s30  }
0xb9: {  	s0 =	sor.u32 s3, s0;
	s1 =	sshll.u32 s1, $0x11  }
0xba: {  	s0 =	sor.u32 s1, s0  }
0xbb: {  	s0 =	sadd.s32 $0x8F2B, s0  }
0xbc: {  	[sflag:s0] =	ssyncadd.remote.s32 $0x1  }
0xbd: {  	_ =	sfence.sel $0xFFFF  }
0xbe: {  	[dreg:$0x0] =	wrdreg $0xFFFFFFFF;
	(pc) =	sbr.abs _section_cstart, $3  }
0xbf: {  	[dreg:$0x1] =	wrdreg $0xFFFFFFFF  }
0xc0: {  	_ =	task.clear_ibuf [dreg:s6], $0x2FFFF;
	_ =	strace $0x9FFFFFFF  }
0xc1: {  	(tm) =	ssettm $0x7FFFFFFF  }
tec
execute0_lowered:
.L_overlay_start_1:
0x0: {  	(tag) =	ssettag $0x1  }
0x1: {  	s1 =	srdreg.scid  }
0x2: {  	s0 =	stileid.u32;
	s3 =	rddreg [dreg:$0x0];
	s8 =	simm.s32 $0x1  }
0x3: {  	s9 =	simm.s32 $0x2800;
	s10 =	simm.s32 $0x80;
	s11 =	simm.s32 $0x400  }
0x4: {  	s4 =	sand.u32 $0x1, s1;
	s2 =	sshll.u32 s0, $0x1;
	s1 =	rddreg [dreg:$0x1]  }
0x5: {  	s6 =	sshrl.u32 s0, $0x2;
	s5 =	sor.u32 s4, s2;
	s2 =	simm.s32 $0x0  }
0x6: {  	s6 =	smul.u32 $0x14000, s6;
	s4 =	ssub.s32 $0x2, s4;
	s7 =	sshll.u32 s5, $0x7  }
0x7: {  	[smem:$0x7FF] =	sst s2;
	s5 =	smul.u32 $0x500, s5;
	s7 =	sand.u32 $0x380, s7  }
0x8: {  	s31 =	sshrl.u32 s4, $0x1;
	_ =	strace $0x80000047;
	s6 =	sor.u32 s6, s7  }
0x9: {  	s5 =	sadd.s32 s5, s3;
	s7 =	ssub.s32 s4, s31;
	s6 =	sshrl.u32 s6, $0x3  }
0xa: {  	s7 =	smax.u32 s7, $0x1;
	s6 =	sadd.s32 s6, s3;
	s3 =	sadd.s32 $0x2E00, s5  }
0xb: {  	v0 =	vimm.f32 $0.0e+00;
	v1 =	vimm.f32 $1.000000000e+00;
	s5 =	sadd.s32 $0xCE00, s5;
	s4 =	sadd.s32 $0x16E00, s6;
	s6 =	sadd.s32 $0x20E00, s6  }
.LBB2_1:
0xc: {  	s12 =	simm.s32 $0x40;
	s13 =	simm.s32 $0x0  }
.LBB2_2:
0xd: {  	p0 =	sne.s32 s12, $0x9FC0;
	[tilespmem:s13+$0x2800] =	vst v0;
	s13 =	smov.u32 s12;
	s12 =	sadd.s32 $0x40, s12  }
.Ltmp0:
0xe: {  	(pc) =	sbr.rel @p0 .LBB2_2-.Ltmp0, $2  }
0xf: {  	_ =	sdelay $0x2  }
0x10: {  	s13 =	sshra.s32 s13, $0x2  }
0x11: {  	[tilespmem:s13+$0x2800] =	vst v0;
	s12 =	simm.s32 $0x0  }
0x12: {  	[tilespmem:s12], [sflag:$0x1] =	stream.linear.gather [hbm4b:s3+s12], $0x2800, $0x38;
	[tilespmem:$0x5000] =	vst v63  }
0x13: {  	_ =	swait.ge [sflag:s8], $0x2800  }
0x14: {  	[sflag:s8] =	ssyncset.done $0x0  }
0x15: {  	s13 =	simm.s32 $0x0;
	s12 =	simm.s32 $0x40;
	[sflag:s8] =	ssyncadd.s32 $0xFFFFD800  }
.LBB2_4:
0x16: {  	p0 =	sne.s32 s12, $0x9FC0;
	v2 =	vld [tilespmem:s13+$0x0];
	_ =	sdelay $0x3  }
.Ltmp1:
0x17: {  	(pc) =	sbr.rel @p0 .LBB2_4-.Ltmp1, $2  }
0x18: {  	_ =	sdelay $0x2  }
0x19: {  	s13 =	sshra.s32 s12, $0x2;
	s12 =	sadd.s32 $0x40, s12;
	[tilespmem:v2+s9+$0x0] =	vst.idx.add.f32.msk $0xffff, v1  }
0x1a: {  	v2 =	vld [tilespmem:s13+$0x0];
	_ =	sdelay $0x7  }
0x1b: {  	[tilespmem:v2+s9+$0x0] =	vst.idx.add.f32.msk $0xffff, v1  }
0x1c: {  	[hbm4b:s4+s10] =	stream.strided.scatter [tilespmem:s9], [sflag:$0x1], $0x2800, s11, s10, $0x38;
	[tilespmem:$0x5000] =	vst v63  }
0x1d: {  	_ =	swait.ge [sflag:s8], $0x2800  }
0x1e: {  	[sflag:s8] =	ssyncset.done $0x0  }
0x1f: {  	s12 =	simm.s32 $0x40;
	s13 =	simm.s32 $0x0;
	[sflag:s8] =	ssyncadd.s32 $0xFFFFD800  }
.LBB2_6:
0x20: {  	p0 =	sne.s32 s12, $0x9FC0;
	[tilespmem:s13+$0x2800] =	vst v0;
	s13 =	smov.u32 s12;
	s12 =	sadd.s32 $0x40, s12  }
.Ltmp2:
0x21: {  	(pc) =	sbr.rel @p0 .LBB2_6-.Ltmp2, $2  }
0x22: {  	_ =	sdelay $0x2  }
0x23: {  	s13 =	sshra.s32 s13, $0x2  }
0x24: {  	[tilespmem:s13+$0x2800] =	vst v0;
	s12 =	simm.s32 $0x0  }
0x25: {  	[tilespmem:s12], [sflag:$0x1] =	stream.linear.gather [hbm4b:s5+s12], $0x2800, $0x38;
	[tilespmem:$0x5000] =	vst v63  }
0x26: {  	_ =	swait.ge [sflag:s8], $0x2800  }
0x27: {  	[sflag:s8] =	ssyncset.done $0x0  }
0x28: {  	s13 =	simm.s32 $0x0;
	s12 =	simm.s32 $0x40;
	[sflag:s8] =	ssyncadd.s32 $0xFFFFD800  }
.LBB2_8:
0x29: {  	p0 =	sne.s32 s12, $0x9FC0;
	v2 =	vld [tilespmem:s13+$0x0];
	_ =	sdelay $0x3  }
.Ltmp3:
0x2a: {  	(pc) =	sbr.rel @p0 .LBB2_8-.Ltmp3, $2  }
0x2b: {  	_ =	sdelay $0x2  }
0x2c: {  	s13 =	sshra.s32 s12, $0x2;
	s12 =	sadd.s32 $0x40, s12;
	[tilespmem:v2+s9+$0x0] =	vst.idx.add.f32.msk $0xffff, v1  }
0x2d: {  	v2 =	vld [tilespmem:s13+$0x0];
	_ =	sdelay $0x5  }
0x2e: {  	s2 =	sadd.s32 $0x1, s2  }
0x2f: {  	p0 =	sne.s32 s2, s7  }
.Ltmp4:
0x30: {  	[tilespmem:v2+s9+$0x0] =	vst.idx.add.f32.msk $0xffff, v1;
	(pc) =	sbr.rel @p0 .LBB2_1-.Ltmp4, $4  }
0x31: {  	[hbm4b:s6+s10] =	stream.strided.scatter [tilespmem:s9], [sflag:$0x1], $0x2800, s11, s10, $0x38;
	[tilespmem:$0x5000] =	vst v63  }
0x32: {  	_ =	swait.ge [sflag:s8], $0x2800  }
0x33: {  	[sflag:s8] =	ssyncset.done $0x0  }
0x34: {  	[sflag:s8] =	ssyncadd.s32 $0xFFFFD800  }
0x35: {  	_ =	sfence.sel $0x180000  }
0x36: {  	[bflag:$0x0] =	sbarrier.arrive $0xFFFF  }
0x37: {  	p0 =	sne.s32 s0, $0x0;
	_ =	strace $0x90000047  }
0x38: {  	s0 =	sadd.s32 @!p0 $0x100000, s1;
	[bflag:$0x2] =	sbarrier.arrive $0xFFFF  }
0x39: {  	[sflag:s0] =	ssyncadd.tile.s32 @!p0 $0x1;
	_ =	shalt  }
.Lfunc_end2:
_tile_overlayer_lowered:
.L_overlay_start_2:
0x3a: {  	(tag) =	ssettag $0x2  }
0x3b: {  	s0 =	rddreg [dreg:$0x0];
	s2 =	stileid.u32  }
0x3c: {  	s1 =	rddreg [dreg:$0x1];
	p0 =	sne.s32 s2, $0x0  }
0x3d: {  	s3 =	rddreg [dreg:$0x2];
	[bflag:$0x3] =	sbarrier.arrive $0xFFFF;
	s2 =	simm.s32 @!p0 $0x1C01  }
0x3e: {  	[timem:s3], [sflag:s2] =	dma.local @!p0 [hbm:s0], s1  }
0x3f: {  	s0 =	simm.s32 @!p0 $0x1  }
0x40: {  	_ =	swait.ge @!p0 [sflag:s0], s1  }
0x41: {  	s1 =	ssub.s32 @!p0 $0x0, s1;
	[sflag:s0] =	ssyncset.done @!p0 $0x0  }
0x42: {  	[sflag:s0] =	ssyncadd.s32 @!p0 s1  }
0x43: {  	[bflag:$0x3] =	sbarrier.arrive $0xFFFF  }
0x44: {  	_ =	shalt  }

</sc_bundles>
